<compile_context>
chip_gen: v7x
topology: tpu7x:2x2x1
jax: 0.10.2.dev20260603
libtpu: 0.0.44.dev20260713+nightly
codegen_flags: <defaults>
</compile_context>

<pallas_src>
import functools

import jax
import jax.numpy as jnp
import numpy as np
from jax import lax
from jax.experimental import pallas as pl
from jax.experimental.pallas import tpu as pltpu
from jax.experimental.pallas import tpu_sc as plsc

N = 10000
E = 320000
D = 128

NC = 2
NS = 16
NW = NC * NS
BLK = 112
NBLK = 90
EPW = NBLK * BLK
E_PAD = NW * EPW
N_ACC = 10112
RPS = N_ACC // NS


_MM_ROWS = 2000


def _mm_body(x_ref, wt_ref, b_ref, o_ref):
    o_ref[...] = (
        jnp.dot(
            x_ref[...],
            wt_ref[...],
            preferred_element_type=jnp.float32,
        )
        + b_ref[...]
    )


def _linear(x2d, W, b):
    wt = W.T
    b2 = b.reshape(1, D)
    return pl.pallas_call(
        _mm_body,
        grid=(N // _MM_ROWS,),
        in_specs=[
            pl.BlockSpec((_MM_ROWS, D), lambda i: (i, 0)),
            pl.BlockSpec((D, D), lambda i: (0, 0)),
            pl.BlockSpec((1, D), lambda i: (0, 0)),
        ],
        out_specs=pl.BlockSpec((_MM_ROWS, D), lambda i: (i, 0)),
        out_shape=jax.ShapeDtypeStruct((N, D), jnp.float32),
    )(x2d, wt, b2)



_sc_mesh = plsc.VectorSubcoreMesh(core_axis_name="c", subcore_axis_name="s")


NBUF = 3
NCHUNK = 15
CHB = NBLK // NCHUNK


@functools.partial(
    pl.kernel,
    mesh=_sc_mesh,
    out_type=jax.ShapeDtypeStruct((NC, N_ACC, D), jnp.float32),
    scratch_types=[
        pltpu.VMEM((2, CHB, BLK), jnp.int32),
        pltpu.VMEM((2, CHB, BLK), jnp.int32),
        pltpu.VMEM((NBUF, BLK, D), jnp.float32),
        pltpu.VMEM_SHARED((N_ACC, D), jnp.float32),
    ]
    + [pltpu.SemaphoreType.DMA] * (NBUF + 2),
)
def _sc_spmm(h_hbm, src_hbm, dst_hbm, out_hbm, src_v, dst_v, rows_v, acc, *sems):
    c = lax.axis_index("c")
    s = lax.axis_index("s")
    wid = s * NC + c

    zslot = rows_v.at[NBUF - 1]

    @pl.loop(0, BLK)
    def _(r):
        for cc in range(D // 16):
            rows_v[NBUF - 1, r, pl.ds(cc * 16, 16)] = jnp.zeros((16,), jnp.float32)

    _zcopies = [(t * BLK, BLK) for t in range(RPS // BLK)]
    if RPS % BLK:
        _zcopies.append((RPS - RPS % BLK, RPS % BLK))
    for off, nrows in _zcopies:
        pltpu.async_copy(
            zslot.at[pl.ds(0, nrows)],
            acc.at[pl.ds(s * RPS + off, nrows)],
            sems[NBUF],
        )

    def _idx_prefetch(ch):
        pltpu.async_copy(src_hbm.at[wid, ch], src_v.at[ch % 2], sems[NBUF + 1])
        pltpu.async_copy(dst_hbm.at[wid, ch], dst_v.at[ch % 2], sems[NBUF + 1])

    def _idx_drain():
        pltpu.make_async_copy(src_hbm.at[wid, 0], src_v.at[0], sems[NBUF + 1]).wait()
        pltpu.make_async_copy(dst_hbm.at[wid, 0], dst_v.at[0], sems[NBUF + 1]).wait()

    def _src_row(b):
        return src_v.at[(b // CHB) % 2, b % CHB]

    def _dst_row(b):
        return dst_v.at[(b // CHB) % 2, b % CHB]

    pltpu.sync_copy(src_hbm.at[wid, 0], src_v.at[0])
    pltpu.sync_copy(dst_hbm.at[wid, 0], dst_v.at[0])
    _idx_prefetch(1)

    for k in range(NBUF - 1):
        pltpu.async_copy(h_hbm.at[src_v.at[0, k]], rows_v.at[k], sems[k])

    for off, nrows in _zcopies:
        pltpu.make_async_copy(
            zslot.at[pl.ds(0, nrows)],
            acc.at[pl.ds(s * RPS + off, nrows)],
            sems[NBUF],
        ).wait()
    plsc.subcore_barrier()

    pltpu.async_copy(h_hbm.at[src_v.at[0, NBUF - 1]], rows_v.at[NBUF - 1], sems[NBUF - 1])

    @pl.loop(0, NBLK - NBUF, step=NBUF)
    def _(j):
        rj = j % CHB

        @pl.when(jnp.logical_and(rj == 0, jnp.logical_and(j > 0, j + CHB < NBLK)))
        def _():
            _idx_prefetch(j // CHB + 1)

        @pl.when(rj == CHB - NBUF)
        def _():
            _idx_drain()

        for k in range(NBUF):
            pltpu.make_async_copy(
                h_hbm.at[src_v.at[0, 0]], rows_v.at[k], sems[k]
            ).wait()
            pltpu.sync_copy(rows_v.at[k], acc.at[_dst_row(j + k)], add=True)
            pltpu.async_copy(h_hbm.at[_src_row(j + NBUF + k)], rows_v.at[k], sems[k])

    for k in range(NBUF):
        b = NBLK - NBUF + k
        pltpu.make_async_copy(h_hbm.at[src_v.at[0, 0]], rows_v.at[k], sems[k]).wait()
        pltpu.sync_copy(
            rows_v.at[k], acc.at[dst_v.at[((b // CHB) % 2), b % CHB]], add=True
        )

    plsc.subcore_barrier()

    pltpu.sync_copy(
        acc.at[pl.ds(s * RPS, RPS)], out_hbm.at[c, pl.ds(s * RPS, RPS)]
    )




_FIN_ROWS = 5000


def _fin_body(p_ref, a_ref, o_ref):
    t = p_ref[0] + p_ref[1]
    o_ref[0] = jnp.where(t >= 0.0, t, a_ref[0, 0] * t)


def _finish(partials, alpha):
    a2 = alpha.reshape(1, 1)
    return pl.pallas_call(
        _fin_body,
        grid=(N // _FIN_ROWS,),
        in_specs=[
            pl.BlockSpec((NC, _FIN_ROWS, D), lambda i: (0, i, 0)),
            pl.BlockSpec((1, 1), lambda i: (0, 0)),
        ],
        out_specs=pl.BlockSpec((1, _FIN_ROWS, D), lambda i: (0, i, 0)),
        out_shape=jax.ShapeDtypeStruct((1, N, D), jnp.float32),
    )(partials, a2)




@jax.jit
def kernel(x, edge_index, W, b, alpha):
    h = _linear(x[0], W, b)

    dst = edge_index[0]
    src = edge_index[1]
    pad = E_PAD - E
    pad_i = np.arange(pad, dtype=np.int32)
    pad_src = jnp.asarray((pad_i * 37) % N, dtype=jnp.int32)
    pad_dst = jnp.asarray(N + (pad_i % (N_ACC - N)), dtype=jnp.int32)
    src_p = jnp.concatenate([src, pad_src]).reshape(NW, NCHUNK, CHB, BLK)
    dst_p = jnp.concatenate([dst, pad_dst]).reshape(NW, NCHUNK, CHB, BLK)

    partials = _sc_spmm(h, src_p, dst_p)

    return _finish(partials, alpha)

# --- scband reference (transcript-rebuilt; emitter-appended) ---
"""Pipeline reference for scband-gcn-10247791969006 (READ-ONLY COPY).

The authoritative reference and input builder live on the scoring server;
editing this copy changes nothing except your own understanding.
"""

import jax, jax.numpy as jnp
import numpy as np

N = 10000
E = 320000
D_IN = 128
D_HID = 128


def setup_inputs(seed: int = 0) -> dict:
    key = jax.random.key(seed)
    k1, k2, k3, k4 = jax.random.split(key, 4)
    x = jax.random.normal(k1, (1, N, D_IN), dtype=jnp.float32)
    edge_index = jax.random.randint(k2, (2, E), 0, N, dtype=jnp.int32)
    # nn.Linear weight with xavier_normal init: std = sqrt(2/(fan_in+fan_out))
    std = np.sqrt(2.0 / (D_IN + D_HID))
    W = jax.random.normal(k3, (D_HID, D_IN), dtype=jnp.float32) * std
    bound = 1.0 / np.sqrt(D_IN)
    b = jax.random.uniform(k4, (D_HID,), dtype=jnp.float32, minval=-bound, maxval=bound)
    # PReLU single learnable slope, torch default init 0.25
    alpha = jnp.array(0.25, dtype=jnp.float32)
    return {"x": x, "edge_index": edge_index, "W": W, "b": b, "alpha": alpha}


def reference(x, edge_index, W, b, alpha):
    # x: [1, N, D_IN] -> Linear -> [1, N, D_HID]
    h = jnp.matmul(x, W.T) + b
    h2 = jnp.squeeze(h, axis=0)  # [N, D_HID]
    # spmm(adj, h2): adj is sparse COO with rows=edge_index[0], cols=edge_index[1], vals=1.0
    # (A @ h2)[i] = sum over edges (i, j) of h2[j]
    msg = jnp.take(h2, edge_index[1], axis=0)  # gather source-node features [E, D_HID]
    agg = jax.ops.segment_sum(msg, edge_index[0], num_segments=N)  # scatter-add to dst rows
    out = jnp.expand_dims(agg, axis=0)  # [1, N, D_HID]
    # PReLU
    return jnp.where(out >= 0, out, alpha * out)

if __name__ == "__main__":
    import jax
    _d = setup_inputs()
    print(jax.jit(kernel)(*tuple(_d.values())))

</pallas_src>

<mosaic_0001>
#map = affine_map<(d0, d1) -> (0, 0)>
#map1 = affine_map<(d0, d1) -> (0, 0, 0, 0)>
#map2 = affine_map<(d0, d1) -> (0, 0, 0)>
module attributes {stable_mosaic.version = 14 : i64} {
  func.func @_sc_spmm(%arg0: i32, %arg1: i32, %arg2: memref<10000x128xf32, #tpu.memory_space<hbm>>, %arg3: memref<32x15x6x112xi32, #tpu.memory_space<hbm>>, %arg4: memref<32x15x6x112xi32, #tpu.memory_space<hbm>>, %arg5: memref<2x10112x128xf32, #tpu.memory_space<hbm>>, %arg6: memref<2x6x112xi32, #tpu.memory_space<vmem>>, %arg7: memref<2x6x112xi32, #tpu.memory_space<vmem>>, %arg8: memref<3x112x128xf32, #tpu.memory_space<vmem>>, %arg9: memref<10112x128xf32, #tpu.memory_space<vmem_shared>>, %arg10: memref<!tpu.dma_semaphore, #tpu.memory_space<semaphore_mem>>, %arg11: memref<!tpu.dma_semaphore, #tpu.memory_space<semaphore_mem>>, %arg12: memref<!tpu.dma_semaphore, #tpu.memory_space<semaphore_mem>>, %arg13: memref<!tpu.dma_semaphore, #tpu.memory_space<semaphore_mem>>, %arg14: memref<!tpu.dma_semaphore, #tpu.memory_space<semaphore_mem>>) attributes {dimension_semantics = [#tpu.dimension_semantics<core_parallel>, #tpu.dimension_semantics<subcore_parallel>], iteration_bounds = array<i64: 2, 16>, scalar_prefetch = 0 : i64, scratch_operands = 9 : i64, tpu.core_type = #tpu.core_type<sc_vector_subcore>, window_params = [{transform_indices = #map}, {transform_indices = #map1}, {transform_indices = #map1}, {transform_indices = #map2}]} {
    %mul3A = arith.constant 2 : i32
    %mul3A_0 = arith.muli %arg1, %mul3A : i32
    %add3A = arith.addi %mul3A_0, %arg0 : i32
    %scan3A = arith.constant 0 : i32
    %scan3A_1 = arith.constant 112 : i32
    %scan3A_2 = arith.addi %scan3A, %scan3A_1 : i32
    %scan3A_3 = arith.constant 1 : i32
    scf.for %scan3A_415 = %scan3A to %scan3A_2 step %scan3A_3  : i32 {
      %mul3A_416 = arith.constant 1 : i32
      %mul3A_417 = arith.muli %scan3A_415, %mul3A_416 : i32
      %add3A_418 = arith.constant 0 : i32
      %add3A_419 = arith.addi %add3A_418, %mul3A_417 : i32
      %broadcast_in_dim3A = arith.constant 0.000000e+00 : f32
      %broadcast_in_dim3A_420 = vector.broadcast %broadcast_in_dim3A : f32 to vector<16xf32>
      %swap3A = arith.constant 2 : i32
      %swap3A_421 = arith.index_cast %swap3A : i32 to index
      %swap3A_422 = arith.index_cast %add3A_419 : i32 to index
      %swap3A_423 = arith.constant 0 : index
      %swap3A_424 = tpu.vector_load %arg8[%swap3A_421, %swap3A_422, %swap3A_423] {strides = array<i32>} : memref<3x112x128xf32, #tpu.memory_space<vmem>>, vector<1x1x16xf32>,
      %swap3A_425 = vector.shape_cast %swap3A_424 : vector<1x1x16xf32> to vector<16xf32>
      %swap3A_426 = vector.shape_cast %broadcast_in_dim3A_420 : vector<16xf32> to vector<1x1x16xf32>
      tpu.vector_store %arg8[%swap3A_421, %swap3A_422, %swap3A_423], %swap3A_426 {strides = array<i32>} : memref<3x112x128xf32, #tpu.memory_space<vmem>>, vector<1x1x16xf32>,
      %broadcast_in_dim3A_427 = arith.constant 0.000000e+00 : f32
      %broadcast_in_dim3A_428 = vector.broadcast %broadcast_in_dim3A_427 : f32 to vector<16xf32>
      %swap3A_429 = arith.constant 2 : i32
      %swap3A_430 = arith.index_cast %swap3A_429 : i32 to index
      %swap3A_431 = arith.index_cast %add3A_419 : i32 to index
      %swap3A_432 = arith.constant 16 : index
      %swap3A_433 = tpu.vector_load %arg8[%swap3A_430, %swap3A_431, %swap3A_432] {strides = array<i32>} : memref<3x112x128xf32, #tpu.memory_space<vmem>>, vector<1x1x16xf32>,
      %swap3A_434 = vector.shape_cast %swap3A_433 : vector<1x1x16xf32> to vector<16xf32>
      %swap3A_435 = vector.shape_cast %broadcast_in_dim3A_428 : vector<16xf32> to vector<1x1x16xf32>
      tpu.vector_store %arg8[%swap3A_430, %swap3A_431, %swap3A_432], %swap3A_435 {strides = array<i32>} : memref<3x112x128xf32, #tpu.memory_space<vmem>>, vector<1x1x16xf32>,
      %broadcast_in_dim3A_436 = arith.constant 0.000000e+00 : f32
      %broadcast_in_dim3A_437 = vector.broadcast %broadcast_in_dim3A_436 : f32 to vector<16xf32>
      %swap3A_438 = arith.constant 2 : i32
      %swap3A_439 = arith.index_cast %swap3A_438 : i32 to index
      %swap3A_440 = arith.index_cast %add3A_419 : i32 to index
      %swap3A_441 = arith.constant 32 : index
      %swap3A_442 = tpu.vector_load %arg8[%swap3A_439, %swap3A_440, %swap3A_441] {strides = array<i32>} : memref<3x112x128xf32, #tpu.memory_space<vmem>>, vector<1x1x16xf32>,
      %swap3A_443 = vector.shape_cast %swap3A_442 : vector<1x1x16xf32> to vector<16xf32>
      %swap3A_444 = vector.shape_cast %broadcast_in_dim3A_437 : vector<16xf32> to vector<1x1x16xf32>
      tpu.vector_store %arg8[%swap3A_439, %swap3A_440, %swap3A_441], %swap3A_444 {strides = array<i32>} : memref<3x112x128xf32, #tpu.memory_space<vmem>>, vector<1x1x16xf32>,
      %broadcast_in_dim3A_445 = arith.constant 0.000000e+00 : f32
      %broadcast_in_dim3A_446 = vector.broadcast %broadcast_in_dim3A_445 : f32 to vector<16xf32>
      %swap3A_447 = arith.constant 2 : i32
      %swap3A_448 = arith.index_cast %swap3A_447 : i32 to index
      %swap3A_449 = arith.index_cast %add3A_419 : i32 to index
      %swap3A_450 = arith.constant 48 : index
      %swap3A_451 = tpu.vector_load %arg8[%swap3A_448, %swap3A_449, %swap3A_450] {strides = array<i32>} : memref<3x112x128xf32, #tpu.memory_space<vmem>>, vector<1x1x16xf32>,
      %swap3A_452 = vector.shape_cast %swap3A_451 : vector<1x1x16xf32> to vector<16xf32>
      %swap3A_453 = vector.shape_cast %broadcast_in_dim3A_446 : vector<16xf32> to vector<1x1x16xf32>
      tpu.vector_store %arg8[%swap3A_448, %swap3A_449, %swap3A_450], %swap3A_453 {strides = array<i32>} : memref<3x112x128xf32, #tpu.memory_space<vmem>>, vector<1x1x16xf32>,
      %broadcast_in_dim3A_454 = arith.constant 0.000000e+00 : f32
      %broadcast_in_dim3A_455 = vector.broadcast %broadcast_in_dim3A_454 : f32 to vector<16xf32>
      %swap3A_456 = arith.constant 2 : i32
      %swap3A_457 = arith.index_cast %swap3A_456 : i32 to index
      %swap3A_458 = arith.index_cast %add3A_419 : i32 to index
      %swap3A_459 = arith.constant 64 : index
      %swap3A_460 = tpu.vector_load %arg8[%swap3A_457, %swap3A_458, %swap3A_459] {strides = array<i32>} : memref<3x112x128xf32, #tpu.memory_space<vmem>>, vector<1x1x16xf32>,
      %swap3A_461 = vector.shape_cast %swap3A_460 : vector<1x1x16xf32> to vector<16xf32>
      %swap3A_462 = vector.shape_cast %broadcast_in_dim3A_455 : vector<16xf32> to vector<1x1x16xf32>
      tpu.vector_store %arg8[%swap3A_457, %swap3A_458, %swap3A_459], %swap3A_462 {strides = array<i32>} : memref<3x112x128xf32, #tpu.memory_space<vmem>>, vector<1x1x16xf32>,
      %broadcast_in_dim3A_463 = arith.constant 0.000000e+00 : f32
      %broadcast_in_dim3A_464 = vector.broadcast %broadcast_in_dim3A_463 : f32 to vector<16xf32>
      %swap3A_465 = arith.constant 2 : i32
      %swap3A_466 = arith.index_cast %swap3A_465 : i32 to index
      %swap3A_467 = arith.index_cast %add3A_419 : i32 to index
      %swap3A_468 = arith.constant 80 : index
      %swap3A_469 = tpu.vector_load %arg8[%swap3A_466, %swap3A_467, %swap3A_468] {strides = array<i32>} : memref<3x112x128xf32, #tpu.memory_space<vmem>>, vector<1x1x16xf32>,
      %swap3A_470 = vector.shape_cast %swap3A_469 : vector<1x1x16xf32> to vector<16xf32>
      %swap3A_471 = vector.shape_cast %broadcast_in_dim3A_464 : vector<16xf32> to vector<1x1x16xf32>
      tpu.vector_store %arg8[%swap3A_466, %swap3A_467, %swap3A_468], %swap3A_471 {strides = array<i32>} : memref<3x112x128xf32, #tpu.memory_space<vmem>>, vector<1x1x16xf32>,
      %broadcast_in_dim3A_472 = arith.constant 0.000000e+00 : f32
      %broadcast_in_dim3A_473 = vector.broadcast %broadcast_in_dim3A_472 : f32 to vector<16xf32>
      %swap3A_474 = arith.constant 2 : i32
      %swap3A_475 = arith.index_cast %swap3A_474 : i32 to index
      %swap3A_476 = arith.index_cast %add3A_419 : i32 to index
      %swap3A_477 = arith.constant 96 : index
      %swap3A_478 = tpu.vector_load %arg8[%swap3A_475, %swap3A_476, %swap3A_477] {strides = array<i32>} : memref<3x112x128xf32, #tpu.memory_space<vmem>>, vector<1x1x16xf32>,
      %swap3A_479 = vector.shape_cast %swap3A_478 : vector<1x1x16xf32> to vector<16xf32>
      %swap3A_480 = vector.shape_cast %broadcast_in_dim3A_473 : vector<16xf32> to vector<1x1x16xf32>
      tpu.vector_store %arg8[%swap3A_475, %swap3A_476, %swap3A_477], %swap3A_480 {strides = array<i32>} : memref<3x112x128xf32, #tpu.memory_space<vmem>>, vector<1x1x16xf32>,
      %broadcast_in_dim3A_481 = arith.constant 0.000000e+00 : f32
      %broadcast_in_dim3A_482 = vector.broadcast %broadcast_in_dim3A_481 : f32 to vector<16xf32>
      %swap3A_483 = arith.constant 2 : i32
      %swap3A_484 = arith.index_cast %swap3A_483 : i32 to index
      %swap3A_485 = arith.index_cast %add3A_419 : i32 to index
      %swap3A_486 = arith.constant 112 : index
      %swap3A_487 = tpu.vector_load %arg8[%swap3A_484, %swap3A_485, %swap3A_486] {strides = array<i32>} : memref<3x112x128xf32, #tpu.memory_space<vmem>>, vector<1x1x16xf32>,
      %swap3A_488 = vector.shape_cast %swap3A_487 : vector<1x1x16xf32> to vector<16xf32>
      %swap3A_489 = vector.shape_cast %broadcast_in_dim3A_482 : vector<16xf32> to vector<1x1x16xf32>
      tpu.vector_store %arg8[%swap3A_484, %swap3A_485, %swap3A_486], %swap3A_489 {strides = array<i32>} : memref<3x112x128xf32, #tpu.memory_space<vmem>>, vector<1x1x16xf32>,
    }
    %scan3A_4 = arith.constant 112 : i32
    %mul3A_5 = arith.constant 632 : i32
    %mul3A_6 = arith.muli %arg1, %mul3A_5 : i32
    %add3A_7 = arith.constant 0 : i32
    %add3A_8 = arith.addi %mul3A_6, %add3A_7 : i32
    %dma_start3A = arith.constant 2 : i32
    %dma_start3A_9 = arith.constant 0 : i32
    %dma_start3A_10 = arith.constant 0 : i32
    %dma_start3A_11 = tpu.memref_slice %arg8[%dma_start3A, %dma_start3A_9, %dma_start3A_10] : memref<3x112x128xf32, #tpu.memory_space<vmem>> -> memref<1x112x128xf32, #tpu.memory_space<vmem>>
    %dma_start3A_12 = tpu.memref_squeeze %dma_start3A_11 : memref<1x112x128xf32, #tpu.memory_space<vmem>> -> memref<112x128xf32, #tpu.memory_space<vmem>>
    %dma_start3A_13 = arith.constant 0 : i32
    %dma_start3A_14 = arith.constant 0 : i32
    %dma_start3A_15 = tpu.memref_slice %dma_start3A_12[%dma_start3A_13, %dma_start3A_14] : memref<112x128xf32, #tpu.memory_space<vmem>> -> memref<112x128xf32, #tpu.memory_space<vmem>>
    %dma_start3A_16 = arith.constant 0 : i32
    %dma_start3A_17 = tpu.memref_slice %arg9[%add3A_8, %dma_start3A_16] : memref<10112x128xf32, #tpu.memory_space<vmem_shared>> -> memref<112x128xf32, #tpu.memory_space<vmem_shared>>
    %dma_start3A_18 = arith.constant 0 : i32
    %dma_start3A_19 = tpu.memref_slice %arg9[%add3A_8, %dma_start3A_18] : memref<10112x128xf32, #tpu.memory_space<vmem_shared>> -> memref<112x128xf32, #tpu.memory_space<vmem_shared>>
    %dma_start3A_20 = arith.constant 0 : i32
    %dma_start3A_21 = arith.constant 0 : i32
    %dma_start3A_22 = tpu.memref_slice %arg8[%dma_start3A, %dma_start3A_20, %dma_start3A_21] : memref<3x112x128xf32, #tpu.memory_space<vmem>> -> memref<1x112x128xf32, #tpu.memory_space<vmem>>
    %dma_start3A_23 = tpu.memref_squeeze %dma_start3A_22 : memref<1x112x128xf32, #tpu.memory_space<vmem>> -> memref<112x128xf32, #tpu.memory_space<vmem>>
    %dma_start3A_24 = arith.constant 0 : i32
    %dma_start3A_25 = arith.constant 0 : i32
    %dma_start3A_26 = tpu.memref_slice %dma_start3A_23[%dma_start3A_24, %dma_start3A_25] : memref<112x128xf32, #tpu.memory_space<vmem>> -> memref<112x128xf32, #tpu.memory_space<vmem>>
    tpu.enqueue_dma source(%dma_start3A_26 : memref<112x128xf32, #tpu.memory_space<vmem>>) target(%dma_start3A_19 : memref<112x128xf32, #tpu.memory_space<vmem_shared>>) target_semaphore(%arg13 : memref<!tpu.dma_semaphore, #tpu.memory_space<semaphore_mem>>)
    %mul3A_27 = arith.constant 632 : i32
    %mul3A_28 = arith.muli %arg1, %mul3A_27 : i32
    %add3A_29 = arith.constant 112 : i32
    %add3A_30 = arith.addi %mul3A_28, %add3A_29 : i32
    %dma_start3A_31 = arith.constant 2 : i32
    %dma_start3A_32 = arith.constant 0 : i32
    %dma_start3A_33 = arith.constant 0 : i32
    %dma_start3A_34 = tpu.memref_slice %arg8[%dma_start3A_31, %dma_start3A_32, %dma_start3A_33] : memref<3x112x128xf32, #tpu.memory_space<vmem>> -> memref<1x112x128xf32, #tpu.memory_space<vmem>>
    %dma_start3A_35 = tpu.memref_squeeze %dma_start3A_34 : memref<1x112x128xf32, #tpu.memory_space<vmem>> -> memref<112x128xf32, #tpu.memory_space<vmem>>
    %dma_start3A_36 = arith.constant 0 : i32
    %dma_start3A_37 = arith.constant 0 : i32
    %dma_start3A_38 = tpu.memref_slice %dma_start3A_35[%dma_start3A_36, %dma_start3A_37] : memref<112x128xf32, #tpu.memory_space<vmem>> -> memref<112x128xf32, #tpu.memory_space<vmem>>
    %dma_start3A_39 = arith.constant 0 : i32
    %dma_start3A_40 = tpu.memref_slice %arg9[%add3A_30, %dma_start3A_39] : memref<10112x128xf32, #tpu.memory_space<vmem_shared>> -> memref<112x128xf32, #tpu.memory_space<vmem_shared>>
    %dma_start3A_41 = arith.constant 0 : i32
    %dma_start3A_42 = tpu.memref_slice %arg9[%add3A_30, %dma_start3A_41] : memref<10112x128xf32, #tpu.memory_space<vmem_shared>> -> memref<112x128xf32, #tpu.memory_space<vmem_shared>>
    %dma_start3A_43 = arith.constant 0 : i32
    %dma_start3A_44 = arith.constant 0 : i32
    %dma_start3A_45 = tpu.memref_slice %arg8[%dma_start3A_31, %dma_start3A_43, %dma_start3A_44] : memref<3x112x128xf32, #tpu.memory_space<vmem>> -> memref<1x112x128xf32, #tpu.memory_space<vmem>>
    %dma_start3A_46 = tpu.memref_squeeze %dma_start3A_45 : memref<1x112x128xf32, #tpu.memory_space<vmem>> -> memref<112x128xf32, #tpu.memory_space<vmem>>
    %dma_start3A_47 = arith.constant 0 : i32
    %dma_start3A_48 = arith.constant 0 : i32
    %dma_start3A_49 = tpu.memref_slice %dma_start3A_46[%dma_start3A_47, %dma_start3A_48] : memref<112x128xf32, #tpu.memory_space<vmem>> -> memref<112x128xf32, #tpu.memory_space<vmem>>
    tpu.enqueue_dma source(%dma_start3A_49 : memref<112x128xf32, #tpu.memory_space<vmem>>) target(%dma_start3A_42 : memref<112x128xf32, #tpu.memory_space<vmem_shared>>) target_semaphore(%arg13 : memref<!tpu.dma_semaphore, #tpu.memory_space<semaphore_mem>>)
    %mul3A_50 = arith.constant 632 : i32
    %mul3A_51 = arith.muli %arg1, %mul3A_50 : i32
    %add3A_52 = arith.constant 224 : i32
    %add3A_53 = arith.addi %mul3A_51, %add3A_52 : i32
    %dma_start3A_54 = arith.constant 2 : i32
    %dma_start3A_55 = arith.constant 0 : i32
    %dma_start3A_56 = arith.constant 0 : i32
    %dma_start3A_57 = tpu.memref_slice %arg8[%dma_start3A_54, %dma_start3A_55, %dma_start3A_56] : memref<3x112x128xf32, #tpu.memory_space<vmem>> -> memref<1x112x128xf32, #tpu.memory_space<vmem>>
    %dma_start3A_58 = tpu.memref_squeeze %dma_start3A_57 : memref<1x112x128xf32, #tpu.memory_space<vmem>> -> memref<112x128xf32, #tpu.memory_space<vmem>>
    %dma_start3A_59 = arith.constant 0 : i32
    %dma_start3A_60 = arith.constant 0 : i32
    %dma_start3A_61 = tpu.memref_slice %dma_start3A_58[%dma_start3A_59, %dma_start3A_60] : memref<112x128xf32, #tpu.memory_space<vmem>> -> memref<112x128xf32, #tpu.memory_space<vmem>>
    %dma_start3A_62 = arith.constant 0 : i32
    %dma_start3A_63 = tpu.memref_slice %arg9[%add3A_53, %dma_start3A_62] : memref<10112x128xf32, #tpu.memory_space<vmem_shared>> -> memref<112x128xf32, #tpu.memory_space<vmem_shared>>
    %dma_start3A_64 = arith.constant 0 : i32
    %dma_start3A_65 = tpu.memref_slice %arg9[%add3A_53, %dma_start3A_64] : memref<10112x128xf32, #tpu.memory_space<vmem_shared>> -> memref<112x128xf32, #tpu.memory_space<vmem_shared>>
    %dma_start3A_66 = arith.constant 0 : i32
    %dma_start3A_67 = arith.constant 0 : i32
    %dma_start3A_68 = tpu.memref_slice %arg8[%dma_start3A_54, %dma_start3A_66, %dma_start3A_67] : memref<3x112x128xf32, #tpu.memory_space<vmem>> -> memref<1x112x128xf32, #tpu.memory_space<vmem>>
    %dma_start3A_69 = tpu.memref_squeeze %dma_start3A_68 : memref<1x112x128xf32, #tpu.memory_space<vmem>> -> memref<112x128xf32, #tpu.memory_space<vmem>>
    %dma_start3A_70 = arith.constant 0 : i32
    %dma_start3A_71 = arith.constant 0 : i32
    %dma_start3A_72 = tpu.memref_slice %dma_start3A_69[%dma_start3A_70, %dma_start3A_71] : memref<112x128xf32, #tpu.memory_space<vmem>> -> memref<112x128xf32, #tpu.memory_space<vmem>>
    tpu.enqueue_dma source(%dma_start3A_72 : memref<112x128xf32, #tpu.memory_space<vmem>>) target(%dma_start3A_65 : memref<112x128xf32, #tpu.memory_space<vmem_shared>>) target_semaphore(%arg13 : memref<!tpu.dma_semaphore, #tpu.memory_space<semaphore_mem>>)
    %mul3A_73 = arith.constant 632 : i32
    %mul3A_74 = arith.muli %arg1, %mul3A_73 : i32
    %add3A_75 = arith.constant 336 : i32
    %add3A_76 = arith.addi %mul3A_74, %add3A_75 : i32
    %dma_start3A_77 = arith.constant 2 : i32
    %dma_start3A_78 = arith.constant 0 : i32
    %dma_start3A_79 = arith.constant 0 : i32
    %dma_start3A_80 = tpu.memref_slice %arg8[%dma_start3A_77, %dma_start3A_78, %dma_start3A_79] : memref<3x112x128xf32, #tpu.memory_space<vmem>> -> memref<1x112x128xf32, #tpu.memory_space<vmem>>
    %dma_start3A_81 = tpu.memref_squeeze %dma_start3A_80 : memref<1x112x128xf32, #tpu.memory_space<vmem>> -> memref<112x128xf32, #tpu.memory_space<vmem>>
    %dma_start3A_82 = arith.constant 0 : i32
    %dma_start3A_83 = arith.constant 0 : i32
    %dma_start3A_84 = tpu.memref_slice %dma_start3A_81[%dma_start3A_82, %dma_start3A_83] : memref<112x128xf32, #tpu.memory_space<vmem>> -> memref<112x128xf32, #tpu.memory_space<vmem>>
    %dma_start3A_85 = arith.constant 0 : i32
    %dma_start3A_86 = tpu.memref_slice %arg9[%add3A_76, %dma_start3A_85] : memref<10112x128xf32, #tpu.memory_space<vmem_shared>> -> memref<112x128xf32, #tpu.memory_space<vmem_shared>>
    %dma_start3A_87 = arith.constant 0 : i32
    %dma_start3A_88 = tpu.memref_slice %arg9[%add3A_76, %dma_start3A_87] : memref<10112x128xf32, #tpu.memory_space<vmem_shared>> -> memref<112x128xf32, #tpu.memory_space<vmem_shared>>
    %dma_start3A_89 = arith.constant 0 : i32
    %dma_start3A_90 = arith.constant 0 : i32
    %dma_start3A_91 = tpu.memref_slice %arg8[%dma_start3A_77, %dma_start3A_89, %dma_start3A_90] : memref<3x112x128xf32, #tpu.memory_space<vmem>> -> memref<1x112x128xf32, #tpu.memory_space<vmem>>
    %dma_start3A_92 = tpu.memref_squeeze %dma_start3A_91 : memref<1x112x128xf32, #tpu.memory_space<vmem>> -> memref<112x128xf32, #tpu.memory_space<vmem>>
    %dma_start3A_93 = arith.constant 0 : i32
    %dma_start3A_94 = arith.constant 0 : i32
    %dma_start3A_95 = tpu.memref_slice %dma_start3A_92[%dma_start3A_93, %dma_start3A_94] : memref<112x128xf32, #tpu.memory_space<vmem>> -> memref<112x128xf32, #tpu.memory_space<vmem>>
    tpu.enqueue_dma source(%dma_start3A_95 : memref<112x128xf32, #tpu.memory_space<vmem>>) target(%dma_start3A_88 : memref<112x128xf32, #tpu.memory_space<vmem_shared>>) target_semaphore(%arg13 : memref<!tpu.dma_semaphore, #tpu.memory_space<semaphore_mem>>)
    %mul3A_96 = arith.constant 632 : i32
    %mul3A_97 = arith.muli %arg1, %mul3A_96 : i32
    %add3A_98 = arith.constant 448 : i32
    %add3A_99 = arith.addi %mul3A_97, %add3A_98 : i32
    %dma_start3A_100 = arith.constant 2 : i32
    %dma_start3A_101 = arith.constant 0 : i32
    %dma_start3A_102 = arith.constant 0 : i32
    %dma_start3A_103 = tpu.memref_slice %arg8[%dma_start3A_100, %dma_start3A_101, %dma_start3A_102] : memref<3x112x128xf32, #tpu.memory_space<vmem>> -> memref<1x112x128xf32, #tpu.memory_space<vmem>>
    %dma_start3A_104 = tpu.memref_squeeze %dma_start3A_103 : memref<1x112x128xf32, #tpu.memory_space<vmem>> -> memref<112x128xf32, #tpu.memory_space<vmem>>
    %dma_start3A_105 = arith.constant 0 : i32
    %dma_start3A_106 = arith.constant 0 : i32
    %dma_start3A_107 = tpu.memref_slice %dma_start3A_104[%dma_start3A_105, %dma_start3A_106] : memref<112x128xf32, #tpu.memory_space<vmem>> -> memref<112x128xf32, #tpu.memory_space<vmem>>
    %dma_start3A_108 = arith.constant 0 : i32
    %dma_start3A_109 = tpu.memref_slice %arg9[%add3A_99, %dma_start3A_108] : memref<10112x128xf32, #tpu.memory_space<vmem_shared>> -> memref<112x128xf32, #tpu.memory_space<vmem_shared>>
    %dma_start3A_110 = arith.constant 0 : i32
    %dma_start3A_111 = tpu.memref_slice %arg9[%add3A_99, %dma_start3A_110] : memref<10112x128xf32, #tpu.memory_space<vmem_shared>> -> memref<112x128xf32, #tpu.memory_space<vmem_shared>>
    %dma_start3A_112 = arith.constant 0 : i32
    %dma_start3A_113 = arith.constant 0 : i32
    %dma_start3A_114 = tpu.memref_slice %arg8[%dma_start3A_100, %dma_start3A_112, %dma_start3A_113] : memref<3x112x128xf32, #tpu.memory_space<vmem>> -> memref<1x112x128xf32, #tpu.memory_space<vmem>>
    %dma_start3A_115 = tpu.memref_squeeze %dma_start3A_114 : memref<1x112x128xf32, #tpu.memory_space<vmem>> -> memref<112x128xf32, #tpu.memory_space<vmem>>
    %dma_start3A_116 = arith.constant 0 : i32
    %dma_start3A_117 = arith.constant 0 : i32
    %dma_start3A_118 = tpu.memref_slice %dma_start3A_115[%dma_start3A_116, %dma_start3A_117] : memref<112x128xf32, #tpu.memory_space<vmem>> -> memref<112x128xf32, #tpu.memory_space<vmem>>
    tpu.enqueue_dma source(%dma_start3A_118 : memref<112x128xf32, #tpu.memory_space<vmem>>) target(%dma_start3A_111 : memref<112x128xf32, #tpu.memory_space<vmem_shared>>) target_semaphore(%arg13 : memref<!tpu.dma_semaphore, #tpu.memory_space<semaphore_mem>>)
    %mul3A_119 = arith.constant 632 : i32
    %mul3A_120 = arith.muli %arg1, %mul3A_119 : i32
    %add3A_121 = arith.constant 560 : i32
    %add3A_122 = arith.addi %mul3A_120, %add3A_121 : i32
    %dma_start3A_123 = arith.constant 2 : i32
    %dma_start3A_124 = arith.constant 0 : i32
    %dma_start3A_125 = arith.constant 0 : i32
    %dma_start3A_126 = tpu.memref_slice %arg8[%dma_start3A_123, %dma_start3A_124, %dma_start3A_125] : memref<3x112x128xf32, #tpu.memory_space<vmem>> -> memref<1x112x128xf32, #tpu.memory_space<vmem>>
    %dma_start3A_127 = tpu.memref_squeeze %dma_start3A_126 : memref<1x112x128xf32, #tpu.memory_space<vmem>> -> memref<112x128xf32, #tpu.memory_space<vmem>>
    %dma_start3A_128 = arith.constant 0 : i32
    %dma_start3A_129 = arith.constant 0 : i32
    %dma_start3A_130 = tpu.memref_slice %dma_start3A_127[%dma_start3A_128, %dma_start3A_129] : memref<112x128xf32, #tpu.memory_space<vmem>> -> memref<72x128xf32, #tpu.memory_space<vmem>>
    %dma_start3A_131 = arith.constant 0 : i32
    %dma_start3A_132 = tpu.memref_slice %arg9[%add3A_122, %dma_start3A_131] : memref<10112x128xf32, #tpu.memory_space<vmem_shared>> -> memref<72x128xf32, #tpu.memory_space<vmem_shared>>
    %dma_start3A_133 = arith.constant 0 : i32
    %dma_start3A_134 = tpu.memref_slice %arg9[%add3A_122, %dma_start3A_133] : memref<10112x128xf32, #tpu.memory_space<vmem_shared>> -> memref<72x128xf32, #tpu.memory_space<vmem_shared>>
    %dma_start3A_135 = arith.constant 0 : i32
    %dma_start3A_136 = arith.constant 0 : i32
    %dma_start3A_137 = tpu.memref_slice %arg8[%dma_start3A_123, %dma_start3A_135, %dma_start3A_136] : memref<3x112x128xf32, #tpu.memory_space<vmem>> -> memref<1x112x128xf32, #tpu.memory_space<vmem>>
    %dma_start3A_138 = tpu.memref_squeeze %dma_start3A_137 : memref<1x112x128xf32, #tpu.memory_space<vmem>> -> memref<112x128xf32, #tpu.memory_space<vmem>>
    %dma_start3A_139 = arith.constant 0 : i32
    %dma_start3A_140 = arith.constant 0 : i32
    %dma_start3A_141 = tpu.memref_slice %dma_start3A_138[%dma_start3A_139, %dma_start3A_140] : memref<112x128xf32, #tpu.memory_space<vmem>> -> memref<72x128xf32, #tpu.memory_space<vmem>>
    tpu.enqueue_dma source(%dma_start3A_141 : memref<72x128xf32, #tpu.memory_space<vmem>>) target(%dma_start3A_134 : memref<72x128xf32, #tpu.memory_space<vmem_shared>>) target_semaphore(%arg13 : memref<!tpu.dma_semaphore, #tpu.memory_space<semaphore_mem>>)
    %run_scoped3A = arith.constant 0 : i32
    %run_scoped3A_142 = arith.constant 0 : i32
    "tpu.region"() ({
      %run_scoped3A_415 = tpu.sem_alloc : memref<!tpu.dma_semaphore, #tpu.memory_space<semaphore_mem>>
      %dma_start3A_416 = arith.constant 0 : i32
      %dma_start3A_417 = arith.constant 0 : i32
      %dma_start3A_418 = tpu.memref_slice %arg6[%run_scoped3A_142, %dma_start3A_416, %dma_start3A_417] : memref<2x6x112xi32, #tpu.memory_space<vmem>> -> memref<1x6x112xi32, #tpu.memory_space<vmem>>
      %dma_start3A_419 = tpu.memref_squeeze %dma_start3A_418 : memref<1x6x112xi32, #tpu.memory_space<vmem>> -> memref<6x112xi32, #tpu.memory_space<vmem>>
      %dma_start3A_420 = arith.constant 0 : i32
      %dma_start3A_421 = arith.constant 0 : i32
      %dma_start3A_422 = tpu.memref_slice %arg3[%add3A, %run_scoped3A, %dma_start3A_420, %dma_start3A_421] : memref<32x15x6x112xi32, #tpu.memory_space<hbm>> -> memref<1x1x6x112xi32, #tpu.memory_space<hbm>>
      %dma_start3A_423 = tpu.memref_squeeze %dma_start3A_422 : memref<1x1x6x112xi32, #tpu.memory_space<hbm>> -> memref<6x112xi32, #tpu.memory_space<hbm>>
      %dma_start3A_424 = arith.constant 0 : i32
      %dma_start3A_425 = arith.constant 0 : i32
      %dma_start3A_426 = tpu.memref_slice %arg6[%run_scoped3A_142, %dma_start3A_424, %dma_start3A_425] : memref<2x6x112xi32, #tpu.memory_space<vmem>> -> memref<1x6x112xi32, #tpu.memory_space<vmem>>
      %dma_start3A_427 = tpu.memref_squeeze %dma_start3A_426 : memref<1x6x112xi32, #tpu.memory_space<vmem>> -> memref<6x112xi32, #tpu.memory_space<vmem>>
      %dma_start3A_428 = arith.constant 0 : i32
      %dma_start3A_429 = arith.constant 0 : i32
      %dma_start3A_430 = tpu.memref_slice %arg3[%add3A, %run_scoped3A, %dma_start3A_428, %dma_start3A_429] : memref<32x15x6x112xi32, #tpu.memory_space<hbm>> -> memref<1x1x6x112xi32, #tpu.memory_space<hbm>>
      %dma_start3A_431 = tpu.memref_squeeze %dma_start3A_430 : memref<1x1x6x112xi32, #tpu.memory_space<hbm>> -> memref<6x112xi32, #tpu.memory_space<hbm>>
      tpu.enqueue_dma source(%dma_start3A_431 : memref<6x112xi32, #tpu.memory_space<hbm>>) target(%dma_start3A_427 : memref<6x112xi32, #tpu.memory_space<vmem>>) target_semaphore(%run_scoped3A_415 : memref<!tpu.dma_semaphore, #tpu.memory_space<semaphore_mem>>)
      %dma_wait3A_432 = arith.constant 0 : i32
      %dma_wait3A_433 = arith.constant 0 : i32
      %dma_wait3A_434 = tpu.memref_slice %arg6[%run_scoped3A_142, %dma_wait3A_432, %dma_wait3A_433] : memref<2x6x112xi32, #tpu.memory_space<vmem>> -> memref<1x6x112xi32, #tpu.memory_space<vmem>>
      %dma_wait3A_435 = tpu.memref_squeeze %dma_wait3A_434 : memref<1x6x112xi32, #tpu.memory_space<vmem>> -> memref<6x112xi32, #tpu.memory_space<vmem>>
      %dma_wait3A_436 = arith.constant 0 : i32
      %dma_wait3A_437 = arith.constant 0 : i32
      %dma_wait3A_438 = tpu.memref_slice %arg3[%add3A, %run_scoped3A, %dma_wait3A_436, %dma_wait3A_437] : memref<32x15x6x112xi32, #tpu.memory_space<hbm>> -> memref<1x1x6x112xi32, #tpu.memory_space<hbm>>
      %dma_wait3A_439 = tpu.memref_squeeze %dma_wait3A_438 : memref<1x1x6x112xi32, #tpu.memory_space<hbm>> -> memref<6x112xi32, #tpu.memory_space<hbm>>
      %dma_wait3A_440 = arith.constant 0 : i32
      %dma_wait3A_441 = arith.constant 0 : i32
      %dma_wait3A_442 = tpu.memref_slice %arg6[%run_scoped3A_142, %dma_wait3A_440, %dma_wait3A_441] : memref<2x6x112xi32, #tpu.memory_space<vmem>> -> memref<1x6x112xi32, #tpu.memory_space<vmem>>
      %dma_wait3A_443 = tpu.memref_squeeze %dma_wait3A_442 : memref<1x6x112xi32, #tpu.memory_space<vmem>> -> memref<6x112xi32, #tpu.memory_space<vmem>>
      %dma_wait3A_444 = arith.constant 0 : i32
      %dma_wait3A_445 = arith.constant 0 : i32
      %dma_wait3A_446 = tpu.memref_slice %arg3[%add3A, %run_scoped3A, %dma_wait3A_444, %dma_wait3A_445] : memref<32x15x6x112xi32, #tpu.memory_space<hbm>> -> memref<1x1x6x112xi32, #tpu.memory_space<hbm>>
      %dma_wait3A_447 = tpu.memref_squeeze %dma_wait3A_446 : memref<1x1x6x112xi32, #tpu.memory_space<hbm>> -> memref<6x112xi32, #tpu.memory_space<hbm>>
      tpu.wait_dma2 semaphore(%run_scoped3A_415 : memref<!tpu.dma_semaphore, #tpu.memory_space<semaphore_mem>>) src(%dma_wait3A_447 : memref<6x112xi32, #tpu.memory_space<hbm>>) dst(%dma_wait3A_443 : memref<6x112xi32, #tpu.memory_space<vmem>>)
      tpu.yield
    }) : () -> ()
    %run_scoped3A_143 = arith.constant 0 : i32
    %run_scoped3A_144 = arith.constant 0 : i32
    "tpu.region"() ({
      %run_scoped3A_415 = tpu.sem_alloc : memref<!tpu.dma_semaphore, #tpu.memory_space<semaphore_mem>>
      %dma_start3A_416 = arith.constant 0 : i32
      %dma_start3A_417 = arith.constant 0 : i32
      %dma_start3A_418 = tpu.memref_slice %arg7[%run_scoped3A_144, %dma_start3A_416, %dma_start3A_417] : memref<2x6x112xi32, #tpu.memory_space<vmem>> -> memref<1x6x112xi32, #tpu.memory_space<vmem>>
      %dma_start3A_419 = tpu.memref_squeeze %dma_start3A_418 : memref<1x6x112xi32, #tpu.memory_space<vmem>> -> memref<6x112xi32, #tpu.memory_space<vmem>>
      %dma_start3A_420 = arith.constant 0 : i32
      %dma_start3A_421 = arith.constant 0 : i32
      %dma_start3A_422 = tpu.memref_slice %arg4[%add3A, %run_scoped3A_143, %dma_start3A_420, %dma_start3A_421] : memref<32x15x6x112xi32, #tpu.memory_space<hbm>> -> memref<1x1x6x112xi32, #tpu.memory_space<hbm>>
      %dma_start3A_423 = tpu.memref_squeeze %dma_start3A_422 : memref<1x1x6x112xi32, #tpu.memory_space<hbm>> -> memref<6x112xi32, #tpu.memory_space<hbm>>
      %dma_start3A_424 = arith.constant 0 : i32
      %dma_start3A_425 = arith.constant 0 : i32
      %dma_start3A_426 = tpu.memref_slice %arg7[%run_scoped3A_144, %dma_start3A_424, %dma_start3A_425] : memref<2x6x112xi32, #tpu.memory_space<vmem>> -> memref<1x6x112xi32, #tpu.memory_space<vmem>>
      %dma_start3A_427 = tpu.memref_squeeze %dma_start3A_426 : memref<1x6x112xi32, #tpu.memory_space<vmem>> -> memref<6x112xi32, #tpu.memory_space<vmem>>
      %dma_start3A_428 = arith.constant 0 : i32
      %dma_start3A_429 = arith.constant 0 : i32
      %dma_start3A_430 = tpu.memref_slice %arg4[%add3A, %run_scoped3A_143, %dma_start3A_428, %dma_start3A_429] : memref<32x15x6x112xi32, #tpu.memory_space<hbm>> -> memref<1x1x6x112xi32, #tpu.memory_space<hbm>>
      %dma_start3A_431 = tpu.memref_squeeze %dma_start3A_430 : memref<1x1x6x112xi32, #tpu.memory_space<hbm>> -> memref<6x112xi32, #tpu.memory_space<hbm>>
      tpu.enqueue_dma source(%dma_start3A_431 : memref<6x112xi32, #tpu.memory_space<hbm>>) target(%dma_start3A_427 : memref<6x112xi32, #tpu.memory_space<vmem>>) target_semaphore(%run_scoped3A_415 : memref<!tpu.dma_semaphore, #tpu.memory_space<semaphore_mem>>)
      %dma_wait3A_432 = arith.constant 0 : i32
      %dma_wait3A_433 = arith.constant 0 : i32
      %dma_wait3A_434 = tpu.memref_slice %arg7[%run_scoped3A_144, %dma_wait3A_432, %dma_wait3A_433] : memref<2x6x112xi32, #tpu.memory_space<vmem>> -> memref<1x6x112xi32, #tpu.memory_space<vmem>>
      %dma_wait3A_435 = tpu.memref_squeeze %dma_wait3A_434 : memref<1x6x112xi32, #tpu.memory_space<vmem>> -> memref<6x112xi32, #tpu.memory_space<vmem>>
      %dma_wait3A_436 = arith.constant 0 : i32
      %dma_wait3A_437 = arith.constant 0 : i32
      %dma_wait3A_438 = tpu.memref_slice %arg4[%add3A, %run_scoped3A_143, %dma_wait3A_436, %dma_wait3A_437] : memref<32x15x6x112xi32, #tpu.memory_space<hbm>> -> memref<1x1x6x112xi32, #tpu.memory_space<hbm>>
      %dma_wait3A_439 = tpu.memref_squeeze %dma_wait3A_438 : memref<1x1x6x112xi32, #tpu.memory_space<hbm>> -> memref<6x112xi32, #tpu.memory_space<hbm>>
      %dma_wait3A_440 = arith.constant 0 : i32
      %dma_wait3A_441 = arith.constant 0 : i32
      %dma_wait3A_442 = tpu.memref_slice %arg7[%run_scoped3A_144, %dma_wait3A_440, %dma_wait3A_441] : memref<2x6x112xi32, #tpu.memory_space<vmem>> -> memref<1x6x112xi32, #tpu.memory_space<vmem>>
      %dma_wait3A_443 = tpu.memref_squeeze %dma_wait3A_442 : memref<1x6x112xi32, #tpu.memory_space<vmem>> -> memref<6x112xi32, #tpu.memory_space<vmem>>
      %dma_wait3A_444 = arith.constant 0 : i32
      %dma_wait3A_445 = arith.constant 0 : i32
      %dma_wait3A_446 = tpu.memref_slice %arg4[%add3A, %run_scoped3A_143, %dma_wait3A_444, %dma_wait3A_445] : memref<32x15x6x112xi32, #tpu.memory_space<hbm>> -> memref<1x1x6x112xi32, #tpu.memory_space<hbm>>
      %dma_wait3A_447 = tpu.memref_squeeze %dma_wait3A_446 : memref<1x1x6x112xi32, #tpu.memory_space<hbm>> -> memref<6x112xi32, #tpu.memory_space<hbm>>
      tpu.wait_dma2 semaphore(%run_scoped3A_415 : memref<!tpu.dma_semaphore, #tpu.memory_space<semaphore_mem>>) src(%dma_wait3A_447 : memref<6x112xi32, #tpu.memory_space<hbm>>) dst(%dma_wait3A_443 : memref<6x112xi32, #tpu.memory_space<vmem>>)
      tpu.yield
    }) : () -> ()
    %dma_start3A_145 = arith.constant 1 : i32
    %dma_start3A_146 = arith.constant 1 : i32
    %dma_start3A_147 = arith.constant 0 : i32
    %dma_start3A_148 = arith.constant 0 : i32
    %dma_start3A_149 = tpu.memref_slice %arg6[%dma_start3A_146, %dma_start3A_147, %dma_start3A_148] : memref<2x6x112xi32, #tpu.memory_space<vmem>> -> memref<1x6x112xi32, #tpu.memory_space<vmem>>
    %dma_start3A_150 = tpu.memref_squeeze %dma_start3A_149 : memref<1x6x112xi32, #tpu.memory_space<vmem>> -> memref<6x112xi32, #tpu.memory_space<vmem>>
    %dma_start3A_151 = arith.constant 0 : i32
    %dma_start3A_152 = arith.constant 0 : i32
    %dma_start3A_153 = tpu.memref_slice %arg3[%add3A, %dma_start3A_145, %dma_start3A_151, %dma_start3A_152] : memref<32x15x6x112xi32, #tpu.memory_space<hbm>> -> memref<1x1x6x112xi32, #tpu.memory_space<hbm>>
    %dma_start3A_154 = tpu.memref_squeeze %dma_start3A_153 : memref<1x1x6x112xi32, #tpu.memory_space<hbm>> -> memref<6x112xi32, #tpu.memory_space<hbm>>
    %dma_start3A_155 = arith.constant 0 : i32
    %dma_start3A_156 = arith.constant 0 : i32
    %dma_start3A_157 = tpu.memref_slice %arg6[%dma_start3A_146, %dma_start3A_155, %dma_start3A_156] : memref<2x6x112xi32, #tpu.memory_space<vmem>> -> memref<1x6x112xi32, #tpu.memory_space<vmem>>
    %dma_start3A_158 = tpu.memref_squeeze %dma_start3A_157 : memref<1x6x112xi32, #tpu.memory_space<vmem>> -> memref<6x112xi32, #tpu.memory_space<vmem>>
    %dma_start3A_159 = arith.constant 0 : i32
    %dma_start3A_160 = arith.constant 0 : i32
    %dma_start3A_161 = tpu.memref_slice %arg3[%add3A, %dma_start3A_145, %dma_start3A_159, %dma_start3A_160] : memref<32x15x6x112xi32, #tpu.memory_space<hbm>> -> memref<1x1x6x112xi32, #tpu.memory_space<hbm>>
    %dma_start3A_162 = tpu.memref_squeeze %dma_start3A_161 : memref<1x1x6x112xi32, #tpu.memory_space<hbm>> -> memref<6x112xi32, #tpu.memory_space<hbm>>
    tpu.enqueue_dma source(%dma_start3A_162 : memref<6x112xi32, #tpu.memory_space<hbm>>) target(%dma_start3A_158 : memref<6x112xi32, #tpu.memory_space<vmem>>) target_semaphore(%arg14 : memref<!tpu.dma_semaphore, #tpu.memory_space<semaphore_mem>>)
    %dma_start3A_163 = arith.constant 1 : i32
    %dma_start3A_164 = arith.constant 1 : i32
    %dma_start3A_165 = arith.constant 0 : i32
    %dma_start3A_166 = arith.constant 0 : i32
    %dma_start3A_167 = tpu.memref_slice %arg7[%dma_start3A_164, %dma_start3A_165, %dma_start3A_166] : memref<2x6x112xi32, #tpu.memory_space<vmem>> -> memref<1x6x112xi32, #tpu.memory_space<vmem>>
    %dma_start3A_168 = tpu.memref_squeeze %dma_start3A_167 : memref<1x6x112xi32, #tpu.memory_space<vmem>> -> memref<6x112xi32, #tpu.memory_space<vmem>>
    %dma_start3A_169 = arith.constant 0 : i32
    %dma_start3A_170 = arith.constant 0 : i32
    %dma_start3A_171 = tpu.memref_slice %arg4[%add3A, %dma_start3A_163, %dma_start3A_169, %dma_start3A_170] : memref<32x15x6x112xi32, #tpu.memory_space<hbm>> -> memref<1x1x6x112xi32, #tpu.memory_space<hbm>>
    %dma_start3A_172 = tpu.memref_squeeze %dma_start3A_171 : memref<1x1x6x112xi32, #tpu.memory_space<hbm>> -> memref<6x112xi32, #tpu.memory_space<hbm>>
    %dma_start3A_173 = arith.constant 0 : i32
    %dma_start3A_174 = arith.constant 0 : i32
    %dma_start3A_175 = tpu.memref_slice %arg7[%dma_start3A_164, %dma_start3A_173, %dma_start3A_174] : memref<2x6x112xi32, #tpu.memory_space<vmem>> -> memref<1x6x112xi32, #tpu.memory_space<vmem>>
    %dma_start3A_176 = tpu.memref_squeeze %dma_start3A_175 : memref<1x6x112xi32, #tpu.memory_space<vmem>> -> memref<6x112xi32, #tpu.memory_space<vmem>>
    %dma_start3A_177 = arith.constant 0 : i32
    %dma_start3A_178 = arith.constant 0 : i32
    %dma_start3A_179 = tpu.memref_slice %arg4[%add3A, %dma_start3A_163, %dma_start3A_177, %dma_start3A_178] : memref<32x15x6x112xi32, #tpu.memory_space<hbm>> -> memref<1x1x6x112xi32, #tpu.memory_space<hbm>>
    %dma_start3A_180 = tpu.memref_squeeze %dma_start3A_179 : memref<1x1x6x112xi32, #tpu.memory_space<hbm>> -> memref<6x112xi32, #tpu.memory_space<hbm>>
    tpu.enqueue_dma source(%dma_start3A_180 : memref<6x112xi32, #tpu.memory_space<hbm>>) target(%dma_start3A_176 : memref<6x112xi32, #tpu.memory_space<vmem>>) target_semaphore(%arg14 : memref<!tpu.dma_semaphore, #tpu.memory_space<semaphore_mem>>)
    %dma_start3A_181 = arith.constant 0 : i32
    %dma_start3A_182 = arith.constant 0 : i32
    %dma_start3A_183 = arith.constant 0 : i32
    %dma_start3A_184 = arith.constant 0 : i32
    %dma_start3A_185 = arith.constant 0 : i32
    %dma_start3A_186 = tpu.memref_slice %arg8[%dma_start3A_183, %dma_start3A_184, %dma_start3A_185] : memref<3x112x128xf32, #tpu.memory_space<vmem>> -> memref<1x112x128xf32, #tpu.memory_space<vmem>>
    %dma_start3A_187 = tpu.memref_squeeze %dma_start3A_186 : memref<1x112x128xf32, #tpu.memory_space<vmem>> -> memref<112x128xf32, #tpu.memory_space<vmem>>
    %dma_start3A_188 = arith.constant 0 : i32
    %dma_start3A_189 = tpu.memref_slice %arg6[%dma_start3A_181, %dma_start3A_182, %dma_start3A_188] : memref<2x6x112xi32, #tpu.memory_space<vmem>> -> memref<1x1x112xi32, #tpu.memory_space<vmem>>
    %dma_start3A_190 = tpu.memref_squeeze %dma_start3A_189 : memref<1x1x112xi32, #tpu.memory_space<vmem>> -> memref<112xi32, #tpu.memory_space<vmem>>
    %dma_start3A_191 = arith.constant 0 : i32
    %dma_start3A_192 = arith.constant 0 : i32
    %dma_start3A_193 = tpu.memref_slice %arg2[%dma_start3A_191, %dma_start3A_192] : memref<10000x128xf32, #tpu.memory_space<hbm>> -> memref<10000x128xf32, #tpu.memory_space<hbm>>
    tpu.enqueue_indirect_dma source(%dma_start3A_193 : memref<10000x128xf32, #tpu.memory_space<hbm>>) target(%dma_start3A_187 : memref<112x128xf32, #tpu.memory_space<vmem>>) offsets(%dma_start3A_190 : memref<112xi32, #tpu.memory_space<vmem>>) semaphore(%arg10 : memref<!tpu.dma_semaphore, #tpu.memory_space<semaphore_mem>>)
    %dma_start3A_194 = arith.constant 0 : i32
    %dma_start3A_195 = arith.constant 1 : i32
    %dma_start3A_196 = arith.constant 1 : i32
    %dma_start3A_197 = arith.constant 0 : i32
    %dma_start3A_198 = arith.constant 0 : i32
    %dma_start3A_199 = tpu.memref_slice %arg8[%dma_start3A_196, %dma_start3A_197, %dma_start3A_198] : memref<3x112x128xf32, #tpu.memory_space<vmem>> -> memref<1x112x128xf32, #tpu.memory_space<vmem>>
    %dma_start3A_200 = tpu.memref_squeeze %dma_start3A_199 : memref<1x112x128xf32, #tpu.memory_space<vmem>> -> memref<112x128xf32, #tpu.memory_space<vmem>>
    %dma_start3A_201 = arith.constant 0 : i32
    %dma_start3A_202 = tpu.memref_slice %arg6[%dma_start3A_194, %dma_start3A_195, %dma_start3A_201] : memref<2x6x112xi32, #tpu.memory_space<vmem>> -> memref<1x1x112xi32, #tpu.memory_space<vmem>>
    %dma_start3A_203 = tpu.memref_squeeze %dma_start3A_202 : memref<1x1x112xi32, #tpu.memory_space<vmem>> -> memref<112xi32, #tpu.memory_space<vmem>>
    %dma_start3A_204 = arith.constant 0 : i32
    %dma_start3A_205 = arith.constant 0 : i32
    %dma_start3A_206 = tpu.memref_slice %arg2[%dma_start3A_204, %dma_start3A_205] : memref<10000x128xf32, #tpu.memory_space<hbm>> -> memref<10000x128xf32, #tpu.memory_space<hbm>>
    tpu.enqueue_indirect_dma source(%dma_start3A_206 : memref<10000x128xf32, #tpu.memory_space<hbm>>) target(%dma_start3A_200 : memref<112x128xf32, #tpu.memory_space<vmem>>) offsets(%dma_start3A_203 : memref<112xi32, #tpu.memory_space<vmem>>) semaphore(%arg11 : memref<!tpu.dma_semaphore, #tpu.memory_space<semaphore_mem>>)
    %mul3A_207 = arith.constant 632 : i32
    %mul3A_208 = arith.muli %arg1, %mul3A_207 : i32
    %add3A_209 = arith.constant 0 : i32
    %add3A_210 = arith.addi %mul3A_208, %add3A_209 : i32
    %dma_wait3A = arith.constant 2 : i32
    %dma_wait3A_211 = arith.constant 0 : i32
    %dma_wait3A_212 = arith.constant 0 : i32
    %dma_wait3A_213 = tpu.memref_slice %arg8[%dma_wait3A, %dma_wait3A_211, %dma_wait3A_212] : memref<3x112x128xf32, #tpu.memory_space<vmem>> -> memref<1x112x128xf32, #tpu.memory_space<vmem>>
    %dma_wait3A_214 = tpu.memref_squeeze %dma_wait3A_213 : memref<1x112x128xf32, #tpu.memory_space<vmem>> -> memref<112x128xf32, #tpu.memory_space<vmem>>
    %dma_wait3A_215 = arith.constant 0 : i32
    %dma_wait3A_216 = arith.constant 0 : i32
    %dma_wait3A_217 = tpu.memref_slice %dma_wait3A_214[%dma_wait3A_215, %dma_wait3A_216] : memref<112x128xf32, #tpu.memory_space<vmem>> -> memref<112x128xf32, #tpu.memory_space<vmem>>
    %dma_wait3A_218 = arith.constant 0 : i32
    %dma_wait3A_219 = tpu.memref_slice %arg9[%add3A_210, %dma_wait3A_218] : memref<10112x128xf32, #tpu.memory_space<vmem_shared>> -> memref<112x128xf32, #tpu.memory_space<vmem_shared>>
    %dma_wait3A_220 = arith.constant 0 : i32
    %dma_wait3A_221 = tpu.memref_slice %arg9[%add3A_210, %dma_wait3A_220] : memref<10112x128xf32, #tpu.memory_space<vmem_shared>> -> memref<112x128xf32, #tpu.memory_space<vmem_shared>>
    %dma_wait3A_222 = arith.constant 0 : i32
    %dma_wait3A_223 = arith.constant 0 : i32
    %dma_wait3A_224 = tpu.memref_slice %arg8[%dma_wait3A, %dma_wait3A_222, %dma_wait3A_223] : memref<3x112x128xf32, #tpu.memory_space<vmem>> -> memref<1x112x128xf32, #tpu.memory_space<vmem>>
    %dma_wait3A_225 = tpu.memref_squeeze %dma_wait3A_224 : memref<1x112x128xf32, #tpu.memory_space<vmem>> -> memref<112x128xf32, #tpu.memory_space<vmem>>
    %dma_wait3A_226 = arith.constant 0 : i32
    %dma_wait3A_227 = arith.constant 0 : i32
    %dma_wait3A_228 = tpu.memref_slice %dma_wait3A_225[%dma_wait3A_226, %dma_wait3A_227] : memref<112x128xf32, #tpu.memory_space<vmem>> -> memref<112x128xf32, #tpu.memory_space<vmem>>
    tpu.wait_dma2 semaphore(%arg13 : memref<!tpu.dma_semaphore, #tpu.memory_space<semaphore_mem>>) src(%dma_wait3A_228 : memref<112x128xf32, #tpu.memory_space<vmem>>) dst(%dma_wait3A_221 : memref<112x128xf32, #tpu.memory_space<vmem_shared>>)
    %mul3A_229 = arith.constant 632 : i32
    %mul3A_230 = arith.muli %arg1, %mul3A_229 : i32
    %add3A_231 = arith.constant 112 : i32
    %add3A_232 = arith.addi %mul3A_230, %add3A_231 : i32
    %dma_wait3A_233 = arith.constant 2 : i32
    %dma_wait3A_234 = arith.constant 0 : i32
    %dma_wait3A_235 = arith.constant 0 : i32
    %dma_wait3A_236 = tpu.memref_slice %arg8[%dma_wait3A_233, %dma_wait3A_234, %dma_wait3A_235] : memref<3x112x128xf32, #tpu.memory_space<vmem>> -> memref<1x112x128xf32, #tpu.memory_space<vmem>>
    %dma_wait3A_237 = tpu.memref_squeeze %dma_wait3A_236 : memref<1x112x128xf32, #tpu.memory_space<vmem>> -> memref<112x128xf32, #tpu.memory_space<vmem>>
    %dma_wait3A_238 = arith.constant 0 : i32
    %dma_wait3A_239 = arith.constant 0 : i32
    %dma_wait3A_240 = tpu.memref_slice %dma_wait3A_237[%dma_wait3A_238, %dma_wait3A_239] : memref<112x128xf32, #tpu.memory_space<vmem>> -> memref<112x128xf32, #tpu.memory_space<vmem>>
    %dma_wait3A_241 = arith.constant 0 : i32
    %dma_wait3A_242 = tpu.memref_slice %arg9[%add3A_232, %dma_wait3A_241] : memref<10112x128xf32, #tpu.memory_space<vmem_shared>> -> memref<112x128xf32, #tpu.memory_space<vmem_shared>>
    %dma_wait3A_243 = arith.constant 0 : i32
    %dma_wait3A_244 = tpu.memref_slice %arg9[%add3A_232, %dma_wait3A_243] : memref<10112x128xf32, #tpu.memory_space<vmem_shared>> -> memref<112x128xf32, #tpu.memory_space<vmem_shared>>
    %dma_wait3A_245 = arith.constant 0 : i32
    %dma_wait3A_246 = arith.constant 0 : i32
    %dma_wait3A_247 = tpu.memref_slice %arg8[%dma_wait3A_233, %dma_wait3A_245, %dma_wait3A_246] : memref<3x112x128xf32, #tpu.memory_space<vmem>> -> memref<1x112x128xf32, #tpu.memory_space<vmem>>
    %dma_wait3A_248 = tpu.memref_squeeze %dma_wait3A_247 : memref<1x112x128xf32, #tpu.memory_space<vmem>> -> memref<112x128xf32, #tpu.memory_space<vmem>>
    %dma_wait3A_249 = arith.constant 0 : i32
    %dma_wait3A_250 = arith.constant 0 : i32
    %dma_wait3A_251 = tpu.memref_slice %dma_wait3A_248[%dma_wait3A_249, %dma_wait3A_250] : memref<112x128xf32, #tpu.memory_space<vmem>> -> memref<112x128xf32, #tpu.memory_space<vmem>>
    tpu.wait_dma2 semaphore(%arg13 : memref<!tpu.dma_semaphore, #tpu.memory_space<semaphore_mem>>) src(%dma_wait3A_251 : memref<112x128xf32, #tpu.memory_space<vmem>>) dst(%dma_wait3A_244 : memref<112x128xf32, #tpu.memory_space<vmem_shared>>)
    %mul3A_252 = arith.constant 632 : i32
    %mul3A_253 = arith.muli %arg1, %mul3A_252 : i32
    %add3A_254 = arith.constant 224 : i32
    %add3A_255 = arith.addi %mul3A_253, %add3A_254 : i32
    %dma_wait3A_256 = arith.constant 2 : i32
    %dma_wait3A_257 = arith.constant 0 : i32
    %dma_wait3A_258 = arith.constant 0 : i32
    %dma_wait3A_259 = tpu.memref_slice %arg8[%dma_wait3A_256, %dma_wait3A_257, %dma_wait3A_258] : memref<3x112x128xf32, #tpu.memory_space<vmem>> -> memref<1x112x128xf32, #tpu.memory_space<vmem>>
    %dma_wait3A_260 = tpu.memref_squeeze %dma_wait3A_259 : memref<1x112x128xf32, #tpu.memory_space<vmem>> -> memref<112x128xf32, #tpu.memory_space<vmem>>
    %dma_wait3A_261 = arith.constant 0 : i32
    %dma_wait3A_262 = arith.constant 0 : i32
    %dma_wait3A_263 = tpu.memref_slice %dma_wait3A_260[%dma_wait3A_261, %dma_wait3A_262] : memref<112x128xf32, #tpu.memory_space<vmem>> -> memref<112x128xf32, #tpu.memory_space<vmem>>
    %dma_wait3A_264 = arith.constant 0 : i32
    %dma_wait3A_265 = tpu.memref_slice %arg9[%add3A_255, %dma_wait3A_264] : memref<10112x128xf32, #tpu.memory_space<vmem_shared>> -> memref<112x128xf32, #tpu.memory_space<vmem_shared>>
    %dma_wait3A_266 = arith.constant 0 : i32
    %dma_wait3A_267 = tpu.memref_slice %arg9[%add3A_255, %dma_wait3A_266] : memref<10112x128xf32, #tpu.memory_space<vmem_shared>> -> memref<112x128xf32, #tpu.memory_space<vmem_shared>>
    %dma_wait3A_268 = arith.constant 0 : i32
    %dma_wait3A_269 = arith.constant 0 : i32
    %dma_wait3A_270 = tpu.memref_slice %arg8[%dma_wait3A_256, %dma_wait3A_268, %dma_wait3A_269] : memref<3x112x128xf32, #tpu.memory_space<vmem>> -> memref<1x112x128xf32, #tpu.memory_space<vmem>>
    %dma_wait3A_271 = tpu.memref_squeeze %dma_wait3A_270 : memref<1x112x128xf32, #tpu.memory_space<vmem>> -> memref<112x128xf32, #tpu.memory_space<vmem>>
    %dma_wait3A_272 = arith.constant 0 : i32
    %dma_wait3A_273 = arith.constant 0 : i32
    %dma_wait3A_274 = tpu.memref_slice %dma_wait3A_271[%dma_wait3A_272, %dma_wait3A_273] : memref<112x128xf32, #tpu.memory_space<vmem>> -> memref<112x128xf32, #tpu.memory_space<vmem>>
    tpu.wait_dma2 semaphore(%arg13 : memref<!tpu.dma_semaphore, #tpu.memory_space<semaphore_mem>>) src(%dma_wait3A_274 : memref<112x128xf32, #tpu.memory_space<vmem>>) dst(%dma_wait3A_267 : memref<112x128xf32, #tpu.memory_space<vmem_shared>>)
    %mul3A_275 = arith.constant 632 : i32
    %mul3A_276 = arith.muli %arg1, %mul3A_275 : i32
    %add3A_277 = arith.constant 336 : i32
    %add3A_278 = arith.addi %mul3A_276, %add3A_277 : i32
    %dma_wait3A_279 = arith.constant 2 : i32
    %dma_wait3A_280 = arith.constant 0 : i32
    %dma_wait3A_281 = arith.constant 0 : i32
    %dma_wait3A_282 = tpu.memref_slice %arg8[%dma_wait3A_279, %dma_wait3A_280, %dma_wait3A_281] : memref<3x112x128xf32, #tpu.memory_space<vmem>> -> memref<1x112x128xf32, #tpu.memory_space<vmem>>
    %dma_wait3A_283 = tpu.memref_squeeze %dma_wait3A_282 : memref<1x112x128xf32, #tpu.memory_space<vmem>> -> memref<112x128xf32, #tpu.memory_space<vmem>>
    %dma_wait3A_284 = arith.constant 0 : i32
    %dma_wait3A_285 = arith.constant 0 : i32
    %dma_wait3A_286 = tpu.memref_slice %dma_wait3A_283[%dma_wait3A_284, %dma_wait3A_285] : memref<112x128xf32, #tpu.memory_space<vmem>> -> memref<112x128xf32, #tpu.memory_space<vmem>>
    %dma_wait3A_287 = arith.constant 0 : i32
    %dma_wait3A_288 = tpu.memref_slice %arg9[%add3A_278, %dma_wait3A_287] : memref<10112x128xf32, #tpu.memory_space<vmem_shared>> -> memref<112x128xf32, #tpu.memory_space<vmem_shared>>
    %dma_wait3A_289 = arith.constant 0 : i32
    %dma_wait3A_290 = tpu.memref_slice %arg9[%add3A_278, %dma_wait3A_289] : memref<10112x128xf32, #tpu.memory_space<vmem_shared>> -> memref<112x128xf32, #tpu.memory_space<vmem_shared>>
    %dma_wait3A_291 = arith.constant 0 : i32
    %dma_wait3A_292 = arith.constant 0 : i32
    %dma_wait3A_293 = tpu.memref_slice %arg8[%dma_wait3A_279, %dma_wait3A_291, %dma_wait3A_292] : memref<3x112x128xf32, #tpu.memory_space<vmem>> -> memref<1x112x128xf32, #tpu.memory_space<vmem>>
    %dma_wait3A_294 = tpu.memref_squeeze %dma_wait3A_293 : memref<1x112x128xf32, #tpu.memory_space<vmem>> -> memref<112x128xf32, #tpu.memory_space<vmem>>
    %dma_wait3A_295 = arith.constant 0 : i32
    %dma_wait3A_296 = arith.constant 0 : i32
    %dma_wait3A_297 = tpu.memref_slice %dma_wait3A_294[%dma_wait3A_295, %dma_wait3A_296] : memref<112x128xf32, #tpu.memory_space<vmem>> -> memref<112x128xf32, #tpu.memory_space<vmem>>
    tpu.wait_dma2 semaphore(%arg13 : memref<!tpu.dma_semaphore, #tpu.memory_space<semaphore_mem>>) src(%dma_wait3A_297 : memref<112x128xf32, #tpu.memory_space<vmem>>) dst(%dma_wait3A_290 : memref<112x128xf32, #tpu.memory_space<vmem_shared>>)
    %mul3A_298 = arith.constant 632 : i32
    %mul3A_299 = arith.muli %arg1, %mul3A_298 : i32
    %add3A_300 = arith.constant 448 : i32
    %add3A_301 = arith.addi %mul3A_299, %add3A_300 : i32
    %dma_wait3A_302 = arith.constant 2 : i32
    %dma_wait3A_303 = arith.constant 0 : i32
    %dma_wait3A_304 = arith.constant 0 : i32
    %dma_wait3A_305 = tpu.memref_slice %arg8[%dma_wait3A_302, %dma_wait3A_303, %dma_wait3A_304] : memref<3x112x128xf32, #tpu.memory_space<vmem>> -> memref<1x112x128xf32, #tpu.memory_space<vmem>>
    %dma_wait3A_306 = tpu.memref_squeeze %dma_wait3A_305 : memref<1x112x128xf32, #tpu.memory_space<vmem>> -> memref<112x128xf32, #tpu.memory_space<vmem>>
    %dma_wait3A_307 = arith.constant 0 : i32
    %dma_wait3A_308 = arith.constant 0 : i32
    %dma_wait3A_309 = tpu.memref_slice %dma_wait3A_306[%dma_wait3A_307, %dma_wait3A_308] : memref<112x128xf32, #tpu.memory_space<vmem>> -> memref<112x128xf32, #tpu.memory_space<vmem>>
    %dma_wait3A_310 = arith.constant 0 : i32
    %dma_wait3A_311 = tpu.memref_slice %arg9[%add3A_301, %dma_wait3A_310] : memref<10112x128xf32, #tpu.memory_space<vmem_shared>> -> memref<112x128xf32, #tpu.memory_space<vmem_shared>>
    %dma_wait3A_312 = arith.constant 0 : i32
    %dma_wait3A_313 = tpu.memref_slice %arg9[%add3A_301, %dma_wait3A_312] : memref<10112x128xf32, #tpu.memory_space<vmem_shared>> -> memref<112x128xf32, #tpu.memory_space<vmem_shared>>
    %dma_wait3A_314 = arith.constant 0 : i32
    %dma_wait3A_315 = arith.constant 0 : i32
    %dma_wait3A_316 = tpu.memref_slice %arg8[%dma_wait3A_302, %dma_wait3A_314, %dma_wait3A_315] : memref<3x112x128xf32, #tpu.memory_space<vmem>> -> memref<1x112x128xf32, #tpu.memory_space<vmem>>
    %dma_wait3A_317 = tpu.memref_squeeze %dma_wait3A_316 : memref<1x112x128xf32, #tpu.memory_space<vmem>> -> memref<112x128xf32, #tpu.memory_space<vmem>>
    %dma_wait3A_318 = arith.constant 0 : i32
    %dma_wait3A_319 = arith.constant 0 : i32
    %dma_wait3A_320 = tpu.memref_slice %dma_wait3A_317[%dma_wait3A_318, %dma_wait3A_319] : memref<112x128xf32, #tpu.memory_space<vmem>> -> memref<112x128xf32, #tpu.memory_space<vmem>>
    tpu.wait_dma2 semaphore(%arg13 : memref<!tpu.dma_semaphore, #tpu.memory_space<semaphore_mem>>) src(%dma_wait3A_320 : memref<112x128xf32, #tpu.memory_space<vmem>>) dst(%dma_wait3A_313 : memref<112x128xf32, #tpu.memory_space<vmem_shared>>)
    %mul3A_321 = arith.constant 632 : i32
    %mul3A_322 = arith.muli %arg1, %mul3A_321 : i32
    %add3A_323 = arith.constant 560 : i32
    %add3A_324 = arith.addi %mul3A_322, %add3A_323 : i32
    %dma_wait3A_325 = arith.constant 2 : i32
    %dma_wait3A_326 = arith.constant 0 : i32
    %dma_wait3A_327 = arith.constant 0 : i32
    %dma_wait3A_328 = tpu.memref_slice %arg8[%dma_wait3A_325, %dma_wait3A_326, %dma_wait3A_327] : memref<3x112x128xf32, #tpu.memory_space<vmem>> -> memref<1x112x128xf32, #tpu.memory_space<vmem>>
    %dma_wait3A_329 = tpu.memref_squeeze %dma_wait3A_328 : memref<1x112x128xf32, #tpu.memory_space<vmem>> -> memref<112x128xf32, #tpu.memory_space<vmem>>
    %dma_wait3A_330 = arith.constant 0 : i32
    %dma_wait3A_331 = arith.constant 0 : i32
    %dma_wait3A_332 = tpu.memref_slice %dma_wait3A_329[%dma_wait3A_330, %dma_wait3A_331] : memref<112x128xf32, #tpu.memory_space<vmem>> -> memref<72x128xf32, #tpu.memory_space<vmem>>
    %dma_wait3A_333 = arith.constant 0 : i32
    %dma_wait3A_334 = tpu.memref_slice %arg9[%add3A_324, %dma_wait3A_333] : memref<10112x128xf32, #tpu.memory_space<vmem_shared>> -> memref<72x128xf32, #tpu.memory_space<vmem_shared>>
    %dma_wait3A_335 = arith.constant 0 : i32
    %dma_wait3A_336 = tpu.memref_slice %arg9[%add3A_324, %dma_wait3A_335] : memref<10112x128xf32, #tpu.memory_space<vmem_shared>> -> memref<72x128xf32, #tpu.memory_space<vmem_shared>>
    %dma_wait3A_337 = arith.constant 0 : i32
    %dma_wait3A_338 = arith.constant 0 : i32
    %dma_wait3A_339 = tpu.memref_slice %arg8[%dma_wait3A_325, %dma_wait3A_337, %dma_wait3A_338] : memref<3x112x128xf32, #tpu.memory_space<vmem>> -> memref<1x112x128xf32, #tpu.memory_space<vmem>>
    %dma_wait3A_340 = tpu.memref_squeeze %dma_wait3A_339 : memref<1x112x128xf32, #tpu.memory_space<vmem>> -> memref<112x128xf32, #tpu.memory_space<vmem>>
    %dma_wait3A_341 = arith.constant 0 : i32
    %dma_wait3A_342 = arith.constant 0 : i32
    %dma_wait3A_343 = tpu.memref_slice %dma_wait3A_340[%dma_wait3A_341, %dma_wait3A_342] : memref<112x128xf32, #tpu.memory_space<vmem>> -> memref<72x128xf32, #tpu.memory_space<vmem>>
    tpu.wait_dma2 semaphore(%arg13 : memref<!tpu.dma_semaphore, #tpu.memory_space<semaphore_mem>>) src(%dma_wait3A_343 : memref<72x128xf32, #tpu.memory_space<vmem>>) dst(%dma_wait3A_336 : memref<72x128xf32, #tpu.memory_space<vmem_shared>>)
    %barrier3A = arith.constant 0 : index
    tpu.barrier barrier_id(%barrier3A)
    %dma_start3A_344 = arith.constant 0 : i32
    %dma_start3A_345 = arith.constant 2 : i32
    %dma_start3A_346 = arith.constant 2 : i32
    %dma_start3A_347 = arith.constant 0 : i32
    %dma_start3A_348 = arith.constant 0 : i32
    %dma_start3A_349 = tpu.memref_slice %arg8[%dma_start3A_346, %dma_start3A_347, %dma_start3A_348] : memref<3x112x128xf32, #tpu.memory_space<vmem>> -> memref<1x112x128xf32, #tpu.memory_space<vmem>>
    %dma_start3A_350 = tpu.memref_squeeze %dma_start3A_349 : memref<1x112x128xf32, #tpu.memory_space<vmem>> -> memref<112x128xf32, #tpu.memory_space<vmem>>
    %dma_start3A_351 = arith.constant 0 : i32
    %dma_start3A_352 = tpu.memref_slice %arg6[%dma_start3A_344, %dma_start3A_345, %dma_start3A_351] : memref<2x6x112xi32, #tpu.memory_space<vmem>> -> memref<1x1x112xi32, #tpu.memory_space<vmem>>
    %dma_start3A_353 = tpu.memref_squeeze %dma_start3A_352 : memref<1x1x112xi32, #tpu.memory_space<vmem>> -> memref<112xi32, #tpu.memory_space<vmem>>
    %dma_start3A_354 = arith.constant 0 : i32
    %dma_start3A_355 = arith.constant 0 : i32
    %dma_start3A_356 = tpu.memref_slice %arg2[%dma_start3A_354, %dma_start3A_355] : memref<10000x128xf32, #tpu.memory_space<hbm>> -> memref<10000x128xf32, #tpu.memory_space<hbm>>
    tpu.enqueue_indirect_dma source(%dma_start3A_356 : memref<10000x128xf32, #tpu.memory_space<hbm>>) target(%dma_start3A_350 : memref<112x128xf32, #tpu.memory_space<vmem>>) offsets(%dma_start3A_353 : memref<112xi32, #tpu.memory_space<vmem>>) semaphore(%arg12 : memref<!tpu.dma_semaphore, #tpu.memory_space<semaphore_mem>>)
    %scan3A_357 = arith.constant 0 : i32
    %scan3A_358 = arith.constant 29 : i32
    %scan3A_359 = arith.addi %scan3A_357, %scan3A_358 : i32
    %scan3A_360 = arith.constant 1 : i32
    scf.for %scan3A_415 = %scan3A_357 to %scan3A_359 step %scan3A_360  : i32 {
      %mul3A_416 = arith.constant 3 : i32
      %mul3A_417 = arith.muli %scan3A_415, %mul3A_416 : i32
      %add3A_418 = arith.constant 0 : i32
      %add3A_419 = arith.addi %add3A_418, %mul3A_417 : i32
      %jit3A = arith.constant 6 : i32
      %eq3A = arith.constant 0 : i32
      %eq3A_420 = arith.cmpi eq, %jit3A, %eq3A : i32
      %jit3A_421 = arith.constant 1 : i32
      %select_n3A = arith.select %eq3A_420, %jit3A_421, %jit3A : i32
      %rem3A = arith.remsi %add3A_419, %select_n3A : i32
      %ne3A = arith.constant 0 : i32
      %ne3A_422 = arith.cmpi ne, %rem3A, %ne3A : i32
      %lt3A = arith.constant 0 : i32
      %lt3A_423 = arith.cmpi slt, %rem3A, %lt3A : i32
      %lt3A_424 = arith.constant 0 : i32
      %lt3A_425 = arith.cmpi slt, %select_n3A, %lt3A_424 : i32
      %ne3A_426 = arith.xori %lt3A_423, %lt3A_425 : i1
      %and3A = arith.andi %ne3A_426, %ne3A_422 : i1
      %add3A_427 = arith.addi %rem3A, %select_n3A : i32
      %select_n3A_428 = arith.select %and3A, %add3A_427, %rem3A : i32
      %eq3A_429 = arith.constant 0 : i32
      %eq3A_430 = arith.cmpi eq, %select_n3A_428, %eq3A_429 : i32
      %gt3A = arith.constant 0 : i32
      %gt3A_431 = arith.cmpi sgt, %add3A_419, %gt3A : i32
      %add3A_432 = arith.constant 6 : i32
      %add3A_433 = arith.addi %add3A_419, %add3A_432 : i32
      %lt3A_434 = arith.constant 90 : i32
      %lt3A_435 = arith.cmpi slt, %add3A_433, %lt3A_434 : i32
      %and3A_436 = arith.andi %gt3A_431, %lt3A_435 : i1
      %and3A_437 = arith.andi %eq3A_430, %and3A_436 : i1
      %convert_element_type3A = arith.extui %and3A_437 : i1 to i32
      %cond3A = arith.constant 0 : i32
      %cond3A_438 = arith.cmpi ne, %convert_element_type3A, %cond3A : i32
      scf.if %cond3A_438 {
        %jit3A_870 = arith.constant 6 : i32
        %div3A_871 = arith.divsi %add3A_419, %jit3A_870 : i32
        %sign3A_872 = arith.constant 0 : i32
        %sign3A_873 = arith.cmpi sgt, %add3A_419, %sign3A_872 : i32
        %sign3A_874 = arith.extui %sign3A_873 : i1 to i32
        %sign3A_875 = arith.constant 0 : i32
        %sign3A_876 = arith.cmpi slt, %add3A_419, %sign3A_875 : i32
        %sign3A_877 = arith.extui %sign3A_876 : i1 to i32
        %sign3A_878 = arith.subi %sign3A_874, %sign3A_877 : i32
        %sign3A_879 = arith.constant 0 : i32
        %sign3A_880 = arith.cmpi sgt, %jit3A_870, %sign3A_879 : i32
        %sign3A_881 = arith.extui %sign3A_880 : i1 to i32
        %sign3A_882 = arith.constant 0 : i32
        %sign3A_883 = arith.cmpi slt, %jit3A_870, %sign3A_882 : i32
        %sign3A_884 = arith.extui %sign3A_883 : i1 to i32
        %sign3A_885 = arith.subi %sign3A_881, %sign3A_884 : i32
        %ne3A_886 = arith.cmpi ne, %sign3A_878, %sign3A_885 : i32
        %rem3A_887 = arith.remsi %add3A_419, %jit3A_870 : i32
        %ne3A_888 = arith.constant 0 : i32
        %ne3A_889 = arith.cmpi ne, %rem3A_887, %ne3A_888 : i32
        %and3A_890 = arith.andi %ne3A_886, %ne3A_889 : i1
        %sub3A_891 = arith.constant 1 : i32
        %sub3A_892 = arith.subi %div3A_871, %sub3A_891 : i32
        %select_n3A_893 = arith.select %and3A_890, %sub3A_892, %div3A_871 : i32
        %add3A_894 = arith.constant 1 : i32
        %add3A_895 = arith.addi %select_n3A_893, %add3A_894 : i32
        %jit3A_896 = arith.constant 2 : i32
        %eq3A_897 = arith.constant 0 : i32
        %eq3A_898 = arith.cmpi eq, %jit3A_896, %eq3A_897 : i32
        %jit3A_899 = arith.constant 1 : i32
        %select_n3A_900 = arith.select %eq3A_898, %jit3A_899, %jit3A_896 : i32
        %rem3A_901 = arith.remsi %add3A_895, %select_n3A_900 : i32
        %ne3A_902 = arith.constant 0 : i32
        %ne3A_903 = arith.cmpi ne, %rem3A_901, %ne3A_902 : i32
        %lt3A_904 = arith.constant 0 : i32
        %lt3A_905 = arith.cmpi slt, %rem3A_901, %lt3A_904 : i32
        %lt3A_906 = arith.constant 0 : i32
        %lt3A_907 = arith.cmpi slt, %select_n3A_900, %lt3A_906 : i32
        %ne3A_908 = arith.xori %lt3A_905, %lt3A_907 : i1
        %and3A_909 = arith.andi %ne3A_908, %ne3A_903 : i1
        %add3A_910 = arith.addi %rem3A_901, %select_n3A_900 : i32
        %select_n3A_911 = arith.select %and3A_909, %add3A_910, %rem3A_901 : i32
        %dma_start3A_912 = arith.constant 0 : i32
        %dma_start3A_913 = arith.constant 0 : i32
        %dma_start3A_914 = tpu.memref_slice %arg6[%select_n3A_911, %dma_start3A_912, %dma_start3A_913] : memref<2x6x112xi32, #tpu.memory_space<vmem>> -> memref<1x6x112xi32, #tpu.memory_space<vmem>>
        %dma_start3A_915 = tpu.memref_squeeze %dma_start3A_914 : memref<1x6x112xi32, #tpu.memory_space<vmem>> -> memref<6x112xi32, #tpu.memory_space<vmem>>
        %dma_start3A_916 = arith.constant 0 : i32
        %dma_start3A_917 = arith.constant 0 : i32
        %dma_start3A_918 = tpu.memref_slice %arg3[%add3A, %add3A_895, %dma_start3A_916, %dma_start3A_917] : memref<32x15x6x112xi32, #tpu.memory_space<hbm>> -> memref<1x1x6x112xi32, #tpu.memory_space<hbm>>
        %dma_start3A_919 = tpu.memref_squeeze %dma_start3A_918 : memref<1x1x6x112xi32, #tpu.memory_space<hbm>> -> memref<6x112xi32, #tpu.memory_space<hbm>>
        %dma_start3A_920 = arith.constant 0 : i32
        %dma_start3A_921 = arith.constant 0 : i32
        %dma_start3A_922 = tpu.memref_slice %arg6[%select_n3A_911, %dma_start3A_920, %dma_start3A_921] : memref<2x6x112xi32, #tpu.memory_space<vmem>> -> memref<1x6x112xi32, #tpu.memory_space<vmem>>
        %dma_start3A_923 = tpu.memref_squeeze %dma_start3A_922 : memref<1x6x112xi32, #tpu.memory_space<vmem>> -> memref<6x112xi32, #tpu.memory_space<vmem>>
        %dma_start3A_924 = arith.constant 0 : i32
        %dma_start3A_925 = arith.constant 0 : i32
        %dma_start3A_926 = tpu.memref_slice %arg3[%add3A, %add3A_895, %dma_start3A_924, %dma_start3A_925] : memref<32x15x6x112xi32, #tpu.memory_space<hbm>> -> memref<1x1x6x112xi32, #tpu.memory_space<hbm>>
        %dma_start3A_927 = tpu.memref_squeeze %dma_start3A_926 : memref<1x1x6x112xi32, #tpu.memory_space<hbm>> -> memref<6x112xi32, #tpu.memory_space<hbm>>
        tpu.enqueue_dma source(%dma_start3A_927 : memref<6x112xi32, #tpu.memory_space<hbm>>) target(%dma_start3A_923 : memref<6x112xi32, #tpu.memory_space<vmem>>) target_semaphore(%arg14 : memref<!tpu.dma_semaphore, #tpu.memory_space<semaphore_mem>>)
        %jit3A_928 = arith.constant 2 : i32
        %eq3A_929 = arith.constant 0 : i32
        %eq3A_930 = arith.cmpi eq, %jit3A_928, %eq3A_929 : i32
        %jit3A_931 = arith.constant 1 : i32
        %select_n3A_932 = arith.select %eq3A_930, %jit3A_931, %jit3A_928 : i32
        %rem3A_933 = arith.remsi %add3A_895, %select_n3A_932 : i32
        %ne3A_934 = arith.constant 0 : i32
        %ne3A_935 = arith.cmpi ne, %rem3A_933, %ne3A_934 : i32
        %lt3A_936 = arith.constant 0 : i32
        %lt3A_937 = arith.cmpi slt, %rem3A_933, %lt3A_936 : i32
        %lt3A_938 = arith.constant 0 : i32
        %lt3A_939 = arith.cmpi slt, %select_n3A_932, %lt3A_938 : i32
        %ne3A_940 = arith.xori %lt3A_937, %lt3A_939 : i1
        %and3A_941 = arith.andi %ne3A_940, %ne3A_935 : i1
        %add3A_942 = arith.addi %rem3A_933, %select_n3A_932 : i32
        %select_n3A_943 = arith.select %and3A_941, %add3A_942, %rem3A_933 : i32
        %dma_start3A_944 = arith.constant 0 : i32
        %dma_start3A_945 = arith.constant 0 : i32
        %dma_start3A_946 = tpu.memref_slice %arg7[%select_n3A_943, %dma_start3A_944, %dma_start3A_945] : memref<2x6x112xi32, #tpu.memory_space<vmem>> -> memref<1x6x112xi32, #tpu.memory_space<vmem>>
        %dma_start3A_947 = tpu.memref_squeeze %dma_start3A_946 : memref<1x6x112xi32, #tpu.memory_space<vmem>> -> memref<6x112xi32, #tpu.memory_space<vmem>>
        %dma_start3A_948 = arith.constant 0 : i32
        %dma_start3A_949 = arith.constant 0 : i32
        %dma_start3A_950 = tpu.memref_slice %arg4[%add3A, %add3A_895, %dma_start3A_948, %dma_start3A_949] : memref<32x15x6x112xi32, #tpu.memory_space<hbm>> -> memref<1x1x6x112xi32, #tpu.memory_space<hbm>>
        %dma_start3A_951 = tpu.memref_squeeze %dma_start3A_950 : memref<1x1x6x112xi32, #tpu.memory_space<hbm>> -> memref<6x112xi32, #tpu.memory_space<hbm>>
        %dma_start3A_952 = arith.constant 0 : i32
        %dma_start3A_953 = arith.constant 0 : i32
        %dma_start3A_954 = tpu.memref_slice %arg7[%select_n3A_943, %dma_start3A_952, %dma_start3A_953] : memref<2x6x112xi32, #tpu.memory_space<vmem>> -> memref<1x6x112xi32, #tpu.memory_space<vmem>>
        %dma_start3A_955 = tpu.memref_squeeze %dma_start3A_954 : memref<1x6x112xi32, #tpu.memory_space<vmem>> -> memref<6x112xi32, #tpu.memory_space<vmem>>
        %dma_start3A_956 = arith.constant 0 : i32
        %dma_start3A_957 = arith.constant 0 : i32
        %dma_start3A_958 = tpu.memref_slice %arg4[%add3A, %add3A_895, %dma_start3A_956, %dma_start3A_957] : memref<32x15x6x112xi32, #tpu.memory_space<hbm>> -> memref<1x1x6x112xi32, #tpu.memory_space<hbm>>
        %dma_start3A_959 = tpu.memref_squeeze %dma_start3A_958 : memref<1x1x6x112xi32, #tpu.memory_space<hbm>> -> memref<6x112xi32, #tpu.memory_space<hbm>>
        tpu.enqueue_dma source(%dma_start3A_959 : memref<6x112xi32, #tpu.memory_space<hbm>>) target(%dma_start3A_955 : memref<6x112xi32, #tpu.memory_space<vmem>>) target_semaphore(%arg14 : memref<!tpu.dma_semaphore, #tpu.memory_space<semaphore_mem>>)
      } else {
      }
      %eq3A_439 = arith.constant 3 : i32
      %eq3A_440 = arith.cmpi eq, %select_n3A_428, %eq3A_439 : i32
      %convert_element_type3A_441 = arith.extui %eq3A_440 : i1 to i32
      %cond3A_442 = arith.constant 0 : i32
      %cond3A_443 = arith.cmpi ne, %convert_element_type3A_441, %cond3A_442 : i32
      scf.if %cond3A_443 {
        %dma_wait3A_870 = arith.constant 0 : i32
        %dma_wait3A_871 = arith.constant 0 : i32
        %dma_wait3A_872 = arith.constant 0 : i32
        %dma_wait3A_873 = arith.constant 0 : i32
        %dma_wait3A_874 = tpu.memref_slice %arg6[%dma_wait3A_871, %dma_wait3A_872, %dma_wait3A_873] : memref<2x6x112xi32, #tpu.memory_space<vmem>> -> memref<1x6x112xi32, #tpu.memory_space<vmem>>
        %dma_wait3A_875 = tpu.memref_squeeze %dma_wait3A_874 : memref<1x6x112xi32, #tpu.memory_space<vmem>> -> memref<6x112xi32, #tpu.memory_space<vmem>>
        %dma_wait3A_876 = arith.constant 0 : i32
        %dma_wait3A_877 = arith.constant 0 : i32
        %dma_wait3A_878 = tpu.memref_slice %arg3[%add3A, %dma_wait3A_870, %dma_wait3A_876, %dma_wait3A_877] : memref<32x15x6x112xi32, #tpu.memory_space<hbm>> -> memref<1x1x6x112xi32, #tpu.memory_space<hbm>>
        %dma_wait3A_879 = tpu.memref_squeeze %dma_wait3A_878 : memref<1x1x6x112xi32, #tpu.memory_space<hbm>> -> memref<6x112xi32, #tpu.memory_space<hbm>>
        %dma_wait3A_880 = arith.constant 0 : i32
        %dma_wait3A_881 = arith.constant 0 : i32
        %dma_wait3A_882 = tpu.memref_slice %arg6[%dma_wait3A_871, %dma_wait3A_880, %dma_wait3A_881] : memref<2x6x112xi32, #tpu.memory_space<vmem>> -> memref<1x6x112xi32, #tpu.memory_space<vmem>>
        %dma_wait3A_883 = tpu.memref_squeeze %dma_wait3A_882 : memref<1x6x112xi32, #tpu.memory_space<vmem>> -> memref<6x112xi32, #tpu.memory_space<vmem>>
        %dma_wait3A_884 = arith.constant 0 : i32
        %dma_wait3A_885 = arith.constant 0 : i32
        %dma_wait3A_886 = tpu.memref_slice %arg3[%add3A, %dma_wait3A_870, %dma_wait3A_884, %dma_wait3A_885] : memref<32x15x6x112xi32, #tpu.memory_space<hbm>> -> memref<1x1x6x112xi32, #tpu.memory_space<hbm>>
        %dma_wait3A_887 = tpu.memref_squeeze %dma_wait3A_886 : memref<1x1x6x112xi32, #tpu.memory_space<hbm>> -> memref<6x112xi32, #tpu.memory_space<hbm>>
        tpu.wait_dma2 semaphore(%arg14 : memref<!tpu.dma_semaphore, #tpu.memory_space<semaphore_mem>>) src(%dma_wait3A_887 : memref<6x112xi32, #tpu.memory_space<hbm>>) dst(%dma_wait3A_883 : memref<6x112xi32, #tpu.memory_space<vmem>>)
        %dma_wait3A_888 = arith.constant 0 : i32
        %dma_wait3A_889 = arith.constant 0 : i32
        %dma_wait3A_890 = arith.constant 0 : i32
        %dma_wait3A_891 = arith.constant 0 : i32
        %dma_wait3A_892 = tpu.memref_slice %arg7[%dma_wait3A_889, %dma_wait3A_890, %dma_wait3A_891] : memref<2x6x112xi32, #tpu.memory_space<vmem>> -> memref<1x6x112xi32, #tpu.memory_space<vmem>>
        %dma_wait3A_893 = tpu.memref_squeeze %dma_wait3A_892 : memref<1x6x112xi32, #tpu.memory_space<vmem>> -> memref<6x112xi32, #tpu.memory_space<vmem>>
        %dma_wait3A_894 = arith.constant 0 : i32
        %dma_wait3A_895 = arith.constant 0 : i32
        %dma_wait3A_896 = tpu.memref_slice %arg4[%add3A, %dma_wait3A_888, %dma_wait3A_894, %dma_wait3A_895] : memref<32x15x6x112xi32, #tpu.memory_space<hbm>> -> memref<1x1x6x112xi32, #tpu.memory_space<hbm>>
        %dma_wait3A_897 = tpu.memref_squeeze %dma_wait3A_896 : memref<1x1x6x112xi32, #tpu.memory_space<hbm>> -> memref<6x112xi32, #tpu.memory_space<hbm>>
        %dma_wait3A_898 = arith.constant 0 : i32
        %dma_wait3A_899 = arith.constant 0 : i32
        %dma_wait3A_900 = tpu.memref_slice %arg7[%dma_wait3A_889, %dma_wait3A_898, %dma_wait3A_899] : memref<2x6x112xi32, #tpu.memory_space<vmem>> -> memref<1x6x112xi32, #tpu.memory_space<vmem>>
        %dma_wait3A_901 = tpu.memref_squeeze %dma_wait3A_900 : memref<1x6x112xi32, #tpu.memory_space<vmem>> -> memref<6x112xi32, #tpu.memory_space<vmem>>
        %dma_wait3A_902 = arith.constant 0 : i32
        %dma_wait3A_903 = arith.constant 0 : i32
        %dma_wait3A_904 = tpu.memref_slice %arg4[%add3A, %dma_wait3A_888, %dma_wait3A_902, %dma_wait3A_903] : memref<32x15x6x112xi32, #tpu.memory_space<hbm>> -> memref<1x1x6x112xi32, #tpu.memory_space<hbm>>
        %dma_wait3A_905 = tpu.memref_squeeze %dma_wait3A_904 : memref<1x1x6x112xi32, #tpu.memory_space<hbm>> -> memref<6x112xi32, #tpu.memory_space<hbm>>
        tpu.wait_dma2 semaphore(%arg14 : memref<!tpu.dma_semaphore, #tpu.memory_space<semaphore_mem>>) src(%dma_wait3A_905 : memref<6x112xi32, #tpu.memory_space<hbm>>) dst(%dma_wait3A_901 : memref<6x112xi32, #tpu.memory_space<vmem>>)
      } else {
      }
      %dma_wait3A_444 = arith.constant 0 : i32
      %dma_wait3A_445 = arith.constant 0 : i32
      %dma_wait3A_446 = arith.constant 0 : i32
      %dma_wait3A_447 = arith.constant 0 : i32
      %dma_wait3A_448 = arith.constant 0 : i32
      %dma_wait3A_449 = tpu.memref_slice %arg8[%dma_wait3A_446, %dma_wait3A_447, %dma_wait3A_448] : memref<3x112x128xf32, #tpu.memory_space<vmem>> -> memref<1x112x128xf32, #tpu.memory_space<vmem>>
      %dma_wait3A_450 = tpu.memref_squeeze %dma_wait3A_449 : memref<1x112x128xf32, #tpu.memory_space<vmem>> -> memref<112x128xf32, #tpu.memory_space<vmem>>
      %dma_wait3A_451 = arith.constant 0 : i32
      %dma_wait3A_452 = tpu.memref_slice %arg6[%dma_wait3A_444, %dma_wait3A_445, %dma_wait3A_451] : memref<2x6x112xi32, #tpu.memory_space<vmem>> -> memref<1x1x112xi32, #tpu.memory_space<vmem>>
      %dma_wait3A_453 = tpu.memref_squeeze %dma_wait3A_452 : memref<1x1x112xi32, #tpu.memory_space<vmem>> -> memref<112xi32, #tpu.memory_space<vmem>>
      %dma_wait3A_454 = arith.constant 0 : i32
      %dma_wait3A_455 = arith.constant 0 : i32
      %dma_wait3A_456 = tpu.memref_slice %arg2[%dma_wait3A_454, %dma_wait3A_455] : memref<10000x128xf32, #tpu.memory_space<hbm>> -> memref<10000x128xf32, #tpu.memory_space<hbm>>
      tpu.wait_indirect_dma semaphore(%arg10 : memref<!tpu.dma_semaphore, #tpu.memory_space<semaphore_mem>>) src(%dma_wait3A_456 : memref<10000x128xf32, #tpu.memory_space<hbm>>) dst(%dma_wait3A_450 : memref<112x128xf32, #tpu.memory_space<vmem>>)
      %add3A_457 = arith.constant 0 : i32
      %add3A_458 = arith.addi %add3A_419, %add3A_457 : i32
      %jit3A_459 = arith.constant 6 : i32
      %div3A = arith.divsi %add3A_458, %jit3A_459 : i32
      %sign3A = arith.constant 0 : i32
      %sign3A_460 = arith.cmpi sgt, %add3A_458, %sign3A : i32
      %sign3A_461 = arith.extui %sign3A_460 : i1 to i32
      %sign3A_462 = arith.constant 0 : i32
      %sign3A_463 = arith.cmpi slt, %add3A_458, %sign3A_462 : i32
      %sign3A_464 = arith.extui %sign3A_463 : i1 to i32
      %sign3A_465 = arith.subi %sign3A_461, %sign3A_464 : i32
      %sign3A_466 = arith.constant 0 : i32
      %sign3A_467 = arith.cmpi sgt, %jit3A_459, %sign3A_466 : i32
      %sign3A_468 = arith.extui %sign3A_467 : i1 to i32
      %sign3A_469 = arith.constant 0 : i32
      %sign3A_470 = arith.cmpi slt, %jit3A_459, %sign3A_469 : i32
      %sign3A_471 = arith.extui %sign3A_470 : i1 to i32
      %sign3A_472 = arith.subi %sign3A_468, %sign3A_471 : i32
      %ne3A_473 = arith.cmpi ne, %sign3A_465, %sign3A_472 : i32
      %rem3A_474 = arith.remsi %add3A_458, %jit3A_459 : i32
      %ne3A_475 = arith.constant 0 : i32
      %ne3A_476 = arith.cmpi ne, %rem3A_474, %ne3A_475 : i32
      %and3A_477 = arith.andi %ne3A_473, %ne3A_476 : i1
      %sub3A = arith.constant 1 : i32
      %sub3A_478 = arith.subi %div3A, %sub3A : i32
      %select_n3A_479 = arith.select %and3A_477, %sub3A_478, %div3A : i32
      %jit3A_480 = arith.constant 2 : i32
      %eq3A_481 = arith.constant 0 : i32
      %eq3A_482 = arith.cmpi eq, %jit3A_480, %eq3A_481 : i32
      %jit3A_483 = arith.constant 1 : i32
      %select_n3A_484 = arith.select %eq3A_482, %jit3A_483, %jit3A_480 : i32
      %rem3A_485 = arith.remsi %select_n3A_479, %select_n3A_484 : i32
      %ne3A_486 = arith.constant 0 : i32
      %ne3A_487 = arith.cmpi ne, %rem3A_485, %ne3A_486 : i32
      %lt3A_488 = arith.constant 0 : i32
      %lt3A_489 = arith.cmpi slt, %rem3A_485, %lt3A_488 : i32
      %lt3A_490 = arith.constant 0 : i32
      %lt3A_491 = arith.cmpi slt, %select_n3A_484, %lt3A_490 : i32
      %ne3A_492 = arith.xori %lt3A_489, %lt3A_491 : i1
      %and3A_493 = arith.andi %ne3A_492, %ne3A_487 : i1
      %add3A_494 = arith.addi %rem3A_485, %select_n3A_484 : i32
      %select_n3A_495 = arith.select %and3A_493, %add3A_494, %rem3A_485 : i32
      %jit3A_496 = arith.constant 6 : i32
      %eq3A_497 = arith.constant 0 : i32
      %eq3A_498 = arith.cmpi eq, %jit3A_496, %eq3A_497 : i32
      %jit3A_499 = arith.constant 1 : i32
      %select_n3A_500 = arith.select %eq3A_498, %jit3A_499, %jit3A_496 : i32
      %rem3A_501 = arith.remsi %add3A_458, %select_n3A_500 : i32
      %ne3A_502 = arith.constant 0 : i32
      %ne3A_503 = arith.cmpi ne, %rem3A_501, %ne3A_502 : i32
      %lt3A_504 = arith.constant 0 : i32
      %lt3A_505 = arith.cmpi slt, %rem3A_501, %lt3A_504 : i32
      %lt3A_506 = arith.constant 0 : i32
      %lt3A_507 = arith.cmpi slt, %select_n3A_500, %lt3A_506 : i32
      %ne3A_508 = arith.xori %lt3A_505, %lt3A_507 : i1
      %and3A_509 = arith.andi %ne3A_508, %ne3A_503 : i1
      %add3A_510 = arith.addi %rem3A_501, %select_n3A_500 : i32
      %select_n3A_511 = arith.select %and3A_509, %add3A_510, %rem3A_501 : i32
      %run_scoped3A_512 = arith.constant 0 : i32
      "tpu.region"() ({
        %run_scoped3A_870 = tpu.sem_alloc : memref<!tpu.dma_semaphore, #tpu.memory_space<semaphore_mem>>
        %dma_start3A_871 = arith.constant 0 : i32
        %dma_start3A_872 = arith.constant 0 : i32
        %dma_start3A_873 = tpu.memref_slice %arg8[%run_scoped3A_512, %dma_start3A_871, %dma_start3A_872] : memref<3x112x128xf32, #tpu.memory_space<vmem>> -> memref<1x112x128xf32, #tpu.memory_space<vmem>>
        %dma_start3A_874 = tpu.memref_squeeze %dma_start3A_873 : memref<1x112x128xf32, #tpu.memory_space<vmem>> -> memref<112x128xf32, #tpu.memory_space<vmem>>
        %dma_start3A_875 = arith.constant 0 : i32
        %dma_start3A_876 = tpu.memref_slice %arg7[%select_n3A_495, %select_n3A_511, %dma_start3A_875] : memref<2x6x112xi32, #tpu.memory_space<vmem>> -> memref<1x1x112xi32, #tpu.memory_space<vmem>>
        %dma_start3A_877 = tpu.memref_squeeze %dma_start3A_876 : memref<1x1x112xi32, #tpu.memory_space<vmem>> -> memref<112xi32, #tpu.memory_space<vmem>>
        %dma_start3A_878 = arith.constant 0 : i32
        %dma_start3A_879 = arith.constant 0 : i32
        %dma_start3A_880 = tpu.memref_slice %arg9[%dma_start3A_878, %dma_start3A_879] : memref<10112x128xf32, #tpu.memory_space<vmem_shared>> -> memref<10112x128xf32, #tpu.memory_space<vmem_shared>>
        tpu.enqueue_indirect_dma source(%dma_start3A_874 : memref<112x128xf32, #tpu.memory_space<vmem>>) target(%dma_start3A_880 : memref<10112x128xf32, #tpu.memory_space<vmem_shared>>) offsets(%dma_start3A_877 : memref<112xi32, #tpu.memory_space<vmem>>) semaphore(%run_scoped3A_870 : memref<!tpu.dma_semaphore, #tpu.memory_space<semaphore_mem>>) {add = true}
        %dma_wait3A_881 = arith.constant 0 : i32
        %dma_wait3A_882 = arith.constant 0 : i32
        %dma_wait3A_883 = tpu.memref_slice %arg8[%run_scoped3A_512, %dma_wait3A_881, %dma_wait3A_882] : memref<3x112x128xf32, #tpu.memory_space<vmem>> -> memref<1x112x128xf32, #tpu.memory_space<vmem>>
        %dma_wait3A_884 = tpu.memref_squeeze %dma_wait3A_883 : memref<1x112x128xf32, #tpu.memory_space<vmem>> -> memref<112x128xf32, #tpu.memory_space<vmem>>
        %dma_wait3A_885 = arith.constant 0 : i32
        %dma_wait3A_886 = tpu.memref_slice %arg7[%select_n3A_495, %select_n3A_511, %dma_wait3A_885] : memref<2x6x112xi32, #tpu.memory_space<vmem>> -> memref<1x1x112xi32, #tpu.memory_space<vmem>>
        %dma_wait3A_887 = tpu.memref_squeeze %dma_wait3A_886 : memref<1x1x112xi32, #tpu.memory_space<vmem>> -> memref<112xi32, #tpu.memory_space<vmem>>
        %dma_wait3A_888 = arith.constant 0 : i32
        %dma_wait3A_889 = arith.constant 0 : i32
        %dma_wait3A_890 = tpu.memref_slice %arg9[%dma_wait3A_888, %dma_wait3A_889] : memref<10112x128xf32, #tpu.memory_space<vmem_shared>> -> memref<10112x128xf32, #tpu.memory_space<vmem_shared>>
        tpu.wait_indirect_dma semaphore(%run_scoped3A_870 : memref<!tpu.dma_semaphore, #tpu.memory_space<semaphore_mem>>) src(%dma_wait3A_884 : memref<112x128xf32, #tpu.memory_space<vmem>>) dst(%dma_wait3A_890 : memref<10112x128xf32, #tpu.memory_space<vmem_shared>>)
        tpu.yield
      }) : () -> ()
      %add3A_513 = arith.constant 3 : i32
      %add3A_514 = arith.addi %add3A_419, %add3A_513 : i32
      %add3A_515 = arith.constant 0 : i32
      %add3A_516 = arith.addi %add3A_514, %add3A_515 : i32
      %jit3A_517 = arith.constant 6 : i32
      %div3A_518 = arith.divsi %add3A_516, %jit3A_517 : i32
      %sign3A_519 = arith.constant 0 : i32
      %sign3A_520 = arith.cmpi sgt, %add3A_516, %sign3A_519 : i32
      %sign3A_521 = arith.extui %sign3A_520 : i1 to i32
      %sign3A_522 = arith.constant 0 : i32
      %sign3A_523 = arith.cmpi slt, %add3A_516, %sign3A_522 : i32
      %sign3A_524 = arith.extui %sign3A_523 : i1 to i32
      %sign3A_525 = arith.subi %sign3A_521, %sign3A_524 : i32
      %sign3A_526 = arith.constant 0 : i32
      %sign3A_527 = arith.cmpi sgt, %jit3A_517, %sign3A_526 : i32
      %sign3A_528 = arith.extui %sign3A_527 : i1 to i32
      %sign3A_529 = arith.constant 0 : i32
      %sign3A_530 = arith.cmpi slt, %jit3A_517, %sign3A_529 : i32
      %sign3A_531 = arith.extui %sign3A_530 : i1 to i32
      %sign3A_532 = arith.subi %sign3A_528, %sign3A_531 : i32
      %ne3A_533 = arith.cmpi ne, %sign3A_525, %sign3A_532 : i32
      %rem3A_534 = arith.remsi %add3A_516, %jit3A_517 : i32
      %ne3A_535 = arith.constant 0 : i32
      %ne3A_536 = arith.cmpi ne, %rem3A_534, %ne3A_535 : i32
      %and3A_537 = arith.andi %ne3A_533, %ne3A_536 : i1
      %sub3A_538 = arith.constant 1 : i32
      %sub3A_539 = arith.subi %div3A_518, %sub3A_538 : i32
      %select_n3A_540 = arith.select %and3A_537, %sub3A_539, %div3A_518 : i32
      %jit3A_541 = arith.constant 2 : i32
      %eq3A_542 = arith.constant 0 : i32
      %eq3A_543 = arith.cmpi eq, %jit3A_541, %eq3A_542 : i32
      %jit3A_544 = arith.constant 1 : i32
      %select_n3A_545 = arith.select %eq3A_543, %jit3A_544, %jit3A_541 : i32
      %rem3A_546 = arith.remsi %select_n3A_540, %select_n3A_545 : i32
      %ne3A_547 = arith.constant 0 : i32
      %ne3A_548 = arith.cmpi ne, %rem3A_546, %ne3A_547 : i32
      %lt3A_549 = arith.constant 0 : i32
      %lt3A_550 = arith.cmpi slt, %rem3A_546, %lt3A_549 : i32
      %lt3A_551 = arith.constant 0 : i32
      %lt3A_552 = arith.cmpi slt, %select_n3A_545, %lt3A_551 : i32
      %ne3A_553 = arith.xori %lt3A_550, %lt3A_552 : i1
      %and3A_554 = arith.andi %ne3A_553, %ne3A_548 : i1
      %add3A_555 = arith.addi %rem3A_546, %select_n3A_545 : i32
      %select_n3A_556 = arith.select %and3A_554, %add3A_555, %rem3A_546 : i32
      %jit3A_557 = arith.constant 6 : i32
      %eq3A_558 = arith.constant 0 : i32
      %eq3A_559 = arith.cmpi eq, %jit3A_557, %eq3A_558 : i32
      %jit3A_560 = arith.constant 1 : i32
      %select_n3A_561 = arith.select %eq3A_559, %jit3A_560, %jit3A_557 : i32
      %rem3A_562 = arith.remsi %add3A_516, %select_n3A_561 : i32
      %ne3A_563 = arith.constant 0 : i32
      %ne3A_564 = arith.cmpi ne, %rem3A_562, %ne3A_563 : i32
      %lt3A_565 = arith.constant 0 : i32
      %lt3A_566 = arith.cmpi slt, %rem3A_562, %lt3A_565 : i32
      %lt3A_567 = arith.constant 0 : i32
      %lt3A_568 = arith.cmpi slt, %select_n3A_561, %lt3A_567 : i32
      %ne3A_569 = arith.xori %lt3A_566, %lt3A_568 : i1
      %and3A_570 = arith.andi %ne3A_569, %ne3A_564 : i1
      %add3A_571 = arith.addi %rem3A_562, %select_n3A_561 : i32
      %select_n3A_572 = arith.select %and3A_570, %add3A_571, %rem3A_562 : i32
      %dma_start3A_573 = arith.constant 0 : i32
      %dma_start3A_574 = arith.constant 0 : i32
      %dma_start3A_575 = arith.constant 0 : i32
      %dma_start3A_576 = tpu.memref_slice %arg8[%dma_start3A_573, %dma_start3A_574, %dma_start3A_575] : memref<3x112x128xf32, #tpu.memory_space<vmem>> -> memref<1x112x128xf32, #tpu.memory_space<vmem>>
      %dma_start3A_577 = tpu.memref_squeeze %dma_start3A_576 : memref<1x112x128xf32, #tpu.memory_space<vmem>> -> memref<112x128xf32, #tpu.memory_space<vmem>>
      %dma_start3A_578 = arith.constant 0 : i32
      %dma_start3A_579 = tpu.memref_slice %arg6[%select_n3A_556, %select_n3A_572, %dma_start3A_578] : memref<2x6x112xi32, #tpu.memory_space<vmem>> -> memref<1x1x112xi32, #tpu.memory_space<vmem>>
      %dma_start3A_580 = tpu.memref_squeeze %dma_start3A_579 : memref<1x1x112xi32, #tpu.memory_space<vmem>> -> memref<112xi32, #tpu.memory_space<vmem>>
      %dma_start3A_581 = arith.constant 0 : i32
      %dma_start3A_582 = arith.constant 0 : i32
      %dma_start3A_583 = tpu.memref_slice %arg2[%dma_start3A_581, %dma_start3A_582] : memref<10000x128xf32, #tpu.memory_space<hbm>> -> memref<10000x128xf32, #tpu.memory_space<hbm>>
      tpu.enqueue_indirect_dma source(%dma_start3A_583 : memref<10000x128xf32, #tpu.memory_space<hbm>>) target(%dma_start3A_577 : memref<112x128xf32, #tpu.memory_space<vmem>>) offsets(%dma_start3A_580 : memref<112xi32, #tpu.memory_space<vmem>>) semaphore(%arg10 : memref<!tpu.dma_semaphore, #tpu.memory_space<semaphore_mem>>)
      %dma_wait3A_584 = arith.constant 0 : i32
      %dma_wait3A_585 = arith.constant 0 : i32
      %dma_wait3A_586 = arith.constant 1 : i32
      %dma_wait3A_587 = arith.constant 0 : i32
      %dma_wait3A_588 = arith.constant 0 : i32
      %dma_wait3A_589 = tpu.memref_slice %arg8[%dma_wait3A_586, %dma_wait3A_587, %dma_wait3A_588] : memref<3x112x128xf32, #tpu.memory_space<vmem>> -> memref<1x112x128xf32, #tpu.memory_space<vmem>>
      %dma_wait3A_590 = tpu.memref_squeeze %dma_wait3A_589 : memref<1x112x128xf32, #tpu.memory_space<vmem>> -> memref<112x128xf32, #tpu.memory_space<vmem>>
      %dma_wait3A_591 = arith.constant 0 : i32
      %dma_wait3A_592 = tpu.memref_slice %arg6[%dma_wait3A_584, %dma_wait3A_585, %dma_wait3A_591] : memref<2x6x112xi32, #tpu.memory_space<vmem>> -> memref<1x1x112xi32, #tpu.memory_space<vmem>>
      %dma_wait3A_593 = tpu.memref_squeeze %dma_wait3A_592 : memref<1x1x112xi32, #tpu.memory_space<vmem>> -> memref<112xi32, #tpu.memory_space<vmem>>
      %dma_wait3A_594 = arith.constant 0 : i32
      %dma_wait3A_595 = arith.constant 0 : i32
      %dma_wait3A_596 = tpu.memref_slice %arg2[%dma_wait3A_594, %dma_wait3A_595] : memref<10000x128xf32, #tpu.memory_space<hbm>> -> memref<10000x128xf32, #tpu.memory_space<hbm>>
      tpu.wait_indirect_dma semaphore(%arg11 : memref<!tpu.dma_semaphore, #tpu.memory_space<semaphore_mem>>) src(%dma_wait3A_596 : memref<10000x128xf32, #tpu.memory_space<hbm>>) dst(%dma_wait3A_590 : memref<112x128xf32, #tpu.memory_space<vmem>>)
      %add3A_597 = arith.constant 1 : i32
      %add3A_598 = arith.addi %add3A_419, %add3A_597 : i32
      %jit3A_599 = arith.constant 6 : i32
      %div3A_600 = arith.divsi %add3A_598, %jit3A_599 : i32
      %sign3A_601 = arith.constant 0 : i32
      %sign3A_602 = arith.cmpi sgt, %add3A_598, %sign3A_601 : i32
      %sign3A_603 = arith.extui %sign3A_602 : i1 to i32
      %sign3A_604 = arith.constant 0 : i32
      %sign3A_605 = arith.cmpi slt, %add3A_598, %sign3A_604 : i32
      %sign3A_606 = arith.extui %sign3A_605 : i1 to i32
      %sign3A_607 = arith.subi %sign3A_603, %sign3A_606 : i32
      %sign3A_608 = arith.constant 0 : i32
      %sign3A_609 = arith.cmpi sgt, %jit3A_599, %sign3A_608 : i32
      %sign3A_610 = arith.extui %sign3A_609 : i1 to i32
      %sign3A_611 = arith.constant 0 : i32
      %sign3A_612 = arith.cmpi slt, %jit3A_599, %sign3A_611 : i32
      %sign3A_613 = arith.extui %sign3A_612 : i1 to i32
      %sign3A_614 = arith.subi %sign3A_610, %sign3A_613 : i32
      %ne3A_615 = arith.cmpi ne, %sign3A_607, %sign3A_614 : i32
      %rem3A_616 = arith.remsi %add3A_598, %jit3A_599 : i32
      %ne3A_617 = arith.constant 0 : i32
      %ne3A_618 = arith.cmpi ne, %rem3A_616, %ne3A_617 : i32
      %and3A_619 = arith.andi %ne3A_615, %ne3A_618 : i1
      %sub3A_620 = arith.constant 1 : i32
      %sub3A_621 = arith.subi %div3A_600, %sub3A_620 : i32
      %select_n3A_622 = arith.select %and3A_619, %sub3A_621, %div3A_600 : i32
      %jit3A_623 = arith.constant 2 : i32
      %eq3A_624 = arith.constant 0 : i32
      %eq3A_625 = arith.cmpi eq, %jit3A_623, %eq3A_624 : i32
      %jit3A_626 = arith.constant 1 : i32
      %select_n3A_627 = arith.select %eq3A_625, %jit3A_626, %jit3A_623 : i32
      %rem3A_628 = arith.remsi %select_n3A_622, %select_n3A_627 : i32
      %ne3A_629 = arith.constant 0 : i32
      %ne3A_630 = arith.cmpi ne, %rem3A_628, %ne3A_629 : i32
      %lt3A_631 = arith.constant 0 : i32
      %lt3A_632 = arith.cmpi slt, %rem3A_628, %lt3A_631 : i32
      %lt3A_633 = arith.constant 0 : i32
      %lt3A_634 = arith.cmpi slt, %select_n3A_627, %lt3A_633 : i32
      %ne3A_635 = arith.xori %lt3A_632, %lt3A_634 : i1
      %and3A_636 = arith.andi %ne3A_635, %ne3A_630 : i1
      %add3A_637 = arith.addi %rem3A_628, %select_n3A_627 : i32
      %select_n3A_638 = arith.select %and3A_636, %add3A_637, %rem3A_628 : i32
      %jit3A_639 = arith.constant 6 : i32
      %eq3A_640 = arith.constant 0 : i32
      %eq3A_641 = arith.cmpi eq, %jit3A_639, %eq3A_640 : i32
      %jit3A_642 = arith.constant 1 : i32
      %select_n3A_643 = arith.select %eq3A_641, %jit3A_642, %jit3A_639 : i32
      %rem3A_644 = arith.remsi %add3A_598, %select_n3A_643 : i32
      %ne3A_645 = arith.constant 0 : i32
      %ne3A_646 = arith.cmpi ne, %rem3A_644, %ne3A_645 : i32
      %lt3A_647 = arith.constant 0 : i32
      %lt3A_648 = arith.cmpi slt, %rem3A_644, %lt3A_647 : i32
      %lt3A_649 = arith.constant 0 : i32
      %lt3A_650 = arith.cmpi slt, %select_n3A_643, %lt3A_649 : i32
      %ne3A_651 = arith.xori %lt3A_648, %lt3A_650 : i1
      %and3A_652 = arith.andi %ne3A_651, %ne3A_646 : i1
      %add3A_653 = arith.addi %rem3A_644, %select_n3A_643 : i32
      %select_n3A_654 = arith.select %and3A_652, %add3A_653, %rem3A_644 : i32
      %run_scoped3A_655 = arith.constant 1 : i32
      "tpu.region"() ({
        %run_scoped3A_870 = tpu.sem_alloc : memref<!tpu.dma_semaphore, #tpu.memory_space<semaphore_mem>>
        %dma_start3A_871 = arith.constant 0 : i32
        %dma_start3A_872 = arith.constant 0 : i32
        %dma_start3A_873 = tpu.memref_slice %arg8[%run_scoped3A_655, %dma_start3A_871, %dma_start3A_872] : memref<3x112x128xf32, #tpu.memory_space<vmem>> -> memref<1x112x128xf32, #tpu.memory_space<vmem>>
        %dma_start3A_874 = tpu.memref_squeeze %dma_start3A_873 : memref<1x112x128xf32, #tpu.memory_space<vmem>> -> memref<112x128xf32, #tpu.memory_space<vmem>>
        %dma_start3A_875 = arith.constant 0 : i32
        %dma_start3A_876 = tpu.memref_slice %arg7[%select_n3A_638, %select_n3A_654, %dma_start3A_875] : memref<2x6x112xi32, #tpu.memory_space<vmem>> -> memref<1x1x112xi32, #tpu.memory_space<vmem>>
        %dma_start3A_877 = tpu.memref_squeeze %dma_start3A_876 : memref<1x1x112xi32, #tpu.memory_space<vmem>> -> memref<112xi32, #tpu.memory_space<vmem>>
        %dma_start3A_878 = arith.constant 0 : i32
        %dma_start3A_879 = arith.constant 0 : i32
        %dma_start3A_880 = tpu.memref_slice %arg9[%dma_start3A_878, %dma_start3A_879] : memref<10112x128xf32, #tpu.memory_space<vmem_shared>> -> memref<10112x128xf32, #tpu.memory_space<vmem_shared>>
        tpu.enqueue_indirect_dma source(%dma_start3A_874 : memref<112x128xf32, #tpu.memory_space<vmem>>) target(%dma_start3A_880 : memref<10112x128xf32, #tpu.memory_space<vmem_shared>>) offsets(%dma_start3A_877 : memref<112xi32, #tpu.memory_space<vmem>>) semaphore(%run_scoped3A_870 : memref<!tpu.dma_semaphore, #tpu.memory_space<semaphore_mem>>) {add = true}
        %dma_wait3A_881 = arith.constant 0 : i32
        %dma_wait3A_882 = arith.constant 0 : i32
        %dma_wait3A_883 = tpu.memref_slice %arg8[%run_scoped3A_655, %dma_wait3A_881, %dma_wait3A_882] : memref<3x112x128xf32, #tpu.memory_space<vmem>> -> memref<1x112x128xf32, #tpu.memory_space<vmem>>
        %dma_wait3A_884 = tpu.memref_squeeze %dma_wait3A_883 : memref<1x112x128xf32, #tpu.memory_space<vmem>> -> memref<112x128xf32, #tpu.memory_space<vmem>>
        %dma_wait3A_885 = arith.constant 0 : i32
        %dma_wait3A_886 = tpu.memref_slice %arg7[%select_n3A_638, %select_n3A_654, %dma_wait3A_885] : memref<2x6x112xi32, #tpu.memory_space<vmem>> -> memref<1x1x112xi32, #tpu.memory_space<vmem>>
        %dma_wait3A_887 = tpu.memref_squeeze %dma_wait3A_886 : memref<1x1x112xi32, #tpu.memory_space<vmem>> -> memref<112xi32, #tpu.memory_space<vmem>>
        %dma_wait3A_888 = arith.constant 0 : i32
        %dma_wait3A_889 = arith.constant 0 : i32
        %dma_wait3A_890 = tpu.memref_slice %arg9[%dma_wait3A_888, %dma_wait3A_889] : memref<10112x128xf32, #tpu.memory_space<vmem_shared>> -> memref<10112x128xf32, #tpu.memory_space<vmem_shared>>
        tpu.wait_indirect_dma semaphore(%run_scoped3A_870 : memref<!tpu.dma_semaphore, #tpu.memory_space<semaphore_mem>>) src(%dma_wait3A_884 : memref<112x128xf32, #tpu.memory_space<vmem>>) dst(%dma_wait3A_890 : memref<10112x128xf32, #tpu.memory_space<vmem_shared>>)
        tpu.yield
      }) : () -> ()
      %add3A_656 = arith.constant 3 : i32
      %add3A_657 = arith.addi %add3A_419, %add3A_656 : i32
      %add3A_658 = arith.constant 1 : i32
      %add3A_659 = arith.addi %add3A_657, %add3A_658 : i32
      %jit3A_660 = arith.constant 6 : i32
      %div3A_661 = arith.divsi %add3A_659, %jit3A_660 : i32
      %sign3A_662 = arith.constant 0 : i32
      %sign3A_663 = arith.cmpi sgt, %add3A_659, %sign3A_662 : i32
      %sign3A_664 = arith.extui %sign3A_663 : i1 to i32
      %sign3A_665 = arith.constant 0 : i32
      %sign3A_666 = arith.cmpi slt, %add3A_659, %sign3A_665 : i32
      %sign3A_667 = arith.extui %sign3A_666 : i1 to i32
      %sign3A_668 = arith.subi %sign3A_664, %sign3A_667 : i32
      %sign3A_669 = arith.constant 0 : i32
      %sign3A_670 = arith.cmpi sgt, %jit3A_660, %sign3A_669 : i32
      %sign3A_671 = arith.extui %sign3A_670 : i1 to i32
      %sign3A_672 = arith.constant 0 : i32
      %sign3A_673 = arith.cmpi slt, %jit3A_660, %sign3A_672 : i32
      %sign3A_674 = arith.extui %sign3A_673 : i1 to i32
      %sign3A_675 = arith.subi %sign3A_671, %sign3A_674 : i32
      %ne3A_676 = arith.cmpi ne, %sign3A_668, %sign3A_675 : i32
      %rem3A_677 = arith.remsi %add3A_659, %jit3A_660 : i32
      %ne3A_678 = arith.constant 0 : i32
      %ne3A_679 = arith.cmpi ne, %rem3A_677, %ne3A_678 : i32
      %and3A_680 = arith.andi %ne3A_676, %ne3A_679 : i1
      %sub3A_681 = arith.constant 1 : i32
      %sub3A_682 = arith.subi %div3A_661, %sub3A_681 : i32
      %select_n3A_683 = arith.select %and3A_680, %sub3A_682, %div3A_661 : i32
      %jit3A_684 = arith.constant 2 : i32
      %eq3A_685 = arith.constant 0 : i32
      %eq3A_686 = arith.cmpi eq, %jit3A_684, %eq3A_685 : i32
      %jit3A_687 = arith.constant 1 : i32
      %select_n3A_688 = arith.select %eq3A_686, %jit3A_687, %jit3A_684 : i32
      %rem3A_689 = arith.remsi %select_n3A_683, %select_n3A_688 : i32
      %ne3A_690 = arith.constant 0 : i32
      %ne3A_691 = arith.cmpi ne, %rem3A_689, %ne3A_690 : i32
      %lt3A_692 = arith.constant 0 : i32
      %lt3A_693 = arith.cmpi slt, %rem3A_689, %lt3A_692 : i32
      %lt3A_694 = arith.constant 0 : i32
      %lt3A_695 = arith.cmpi slt, %select_n3A_688, %lt3A_694 : i32
      %ne3A_696 = arith.xori %lt3A_693, %lt3A_695 : i1
      %and3A_697 = arith.andi %ne3A_696, %ne3A_691 : i1
      %add3A_698 = arith.addi %rem3A_689, %select_n3A_688 : i32
      %select_n3A_699 = arith.select %and3A_697, %add3A_698, %rem3A_689 : i32
      %jit3A_700 = arith.constant 6 : i32
      %eq3A_701 = arith.constant 0 : i32
      %eq3A_702 = arith.cmpi eq, %jit3A_700, %eq3A_701 : i32
      %jit3A_703 = arith.constant 1 : i32
      %select_n3A_704 = arith.select %eq3A_702, %jit3A_703, %jit3A_700 : i32
      %rem3A_705 = arith.remsi %add3A_659, %select_n3A_704 : i32
      %ne3A_706 = arith.constant 0 : i32
      %ne3A_707 = arith.cmpi ne, %rem3A_705, %ne3A_706 : i32
      %lt3A_708 = arith.constant 0 : i32
      %lt3A_709 = arith.cmpi slt, %rem3A_705, %lt3A_708 : i32
      %lt3A_710 = arith.constant 0 : i32
      %lt3A_711 = arith.cmpi slt, %select_n3A_704, %lt3A_710 : i32
      %ne3A_712 = arith.xori %lt3A_709, %lt3A_711 : i1
      %and3A_713 = arith.andi %ne3A_712, %ne3A_707 : i1
      %add3A_714 = arith.addi %rem3A_705, %select_n3A_704 : i32
      %select_n3A_715 = arith.select %and3A_713, %add3A_714, %rem3A_705 : i32
      %dma_start3A_716 = arith.constant 1 : i32
      %dma_start3A_717 = arith.constant 0 : i32
      %dma_start3A_718 = arith.constant 0 : i32
      %dma_start3A_719 = tpu.memref_slice %arg8[%dma_start3A_716, %dma_start3A_717, %dma_start3A_718] : memref<3x112x128xf32, #tpu.memory_space<vmem>> -> memref<1x112x128xf32, #tpu.memory_space<vmem>>
      %dma_start3A_720 = tpu.memref_squeeze %dma_start3A_719 : memref<1x112x128xf32, #tpu.memory_space<vmem>> -> memref<112x128xf32, #tpu.memory_space<vmem>>
      %dma_start3A_721 = arith.constant 0 : i32
      %dma_start3A_722 = tpu.memref_slice %arg6[%select_n3A_699, %select_n3A_715, %dma_start3A_721] : memref<2x6x112xi32, #tpu.memory_space<vmem>> -> memref<1x1x112xi32, #tpu.memory_space<vmem>>
      %dma_start3A_723 = tpu.memref_squeeze %dma_start3A_722 : memref<1x1x112xi32, #tpu.memory_space<vmem>> -> memref<112xi32, #tpu.memory_space<vmem>>
      %dma_start3A_724 = arith.constant 0 : i32
      %dma_start3A_725 = arith.constant 0 : i32
      %dma_start3A_726 = tpu.memref_slice %arg2[%dma_start3A_724, %dma_start3A_725] : memref<10000x128xf32, #tpu.memory_space<hbm>> -> memref<10000x128xf32, #tpu.memory_space<hbm>>
      tpu.enqueue_indirect_dma source(%dma_start3A_726 : memref<10000x128xf32, #tpu.memory_space<hbm>>) target(%dma_start3A_720 : memref<112x128xf32, #tpu.memory_space<vmem>>) offsets(%dma_start3A_723 : memref<112xi32, #tpu.memory_space<vmem>>) semaphore(%arg11 : memref<!tpu.dma_semaphore, #tpu.memory_space<semaphore_mem>>)
      %dma_wait3A_727 = arith.constant 0 : i32
      %dma_wait3A_728 = arith.constant 0 : i32
      %dma_wait3A_729 = arith.constant 2 : i32
      %dma_wait3A_730 = arith.constant 0 : i32
      %dma_wait3A_731 = arith.constant 0 : i32
      %dma_wait3A_732 = tpu.memref_slice %arg8[%dma_wait3A_729, %dma_wait3A_730, %dma_wait3A_731] : memref<3x112x128xf32, #tpu.memory_space<vmem>> -> memref<1x112x128xf32, #tpu.memory_space<vmem>>
      %dma_wait3A_733 = tpu.memref_squeeze %dma_wait3A_732 : memref<1x112x128xf32, #tpu.memory_space<vmem>> -> memref<112x128xf32, #tpu.memory_space<vmem>>
      %dma_wait3A_734 = arith.constant 0 : i32
      %dma_wait3A_735 = tpu.memref_slice %arg6[%dma_wait3A_727, %dma_wait3A_728, %dma_wait3A_734] : memref<2x6x112xi32, #tpu.memory_space<vmem>> -> memref<1x1x112xi32, #tpu.memory_space<vmem>>
      %dma_wait3A_736 = tpu.memref_squeeze %dma_wait3A_735 : memref<1x1x112xi32, #tpu.memory_space<vmem>> -> memref<112xi32, #tpu.memory_space<vmem>>
      %dma_wait3A_737 = arith.constant 0 : i32
      %dma_wait3A_738 = arith.constant 0 : i32
      %dma_wait3A_739 = tpu.memref_slice %arg2[%dma_wait3A_737, %dma_wait3A_738] : memref<10000x128xf32, #tpu.memory_space<hbm>> -> memref<10000x128xf32, #tpu.memory_space<hbm>>
      tpu.wait_indirect_dma semaphore(%arg12 : memref<!tpu.dma_semaphore, #tpu.memory_space<semaphore_mem>>) src(%dma_wait3A_739 : memref<10000x128xf32, #tpu.memory_space<hbm>>) dst(%dma_wait3A_733 : memref<112x128xf32, #tpu.memory_space<vmem>>)
      %add3A_740 = arith.constant 2 : i32
      %add3A_741 = arith.addi %add3A_419, %add3A_740 : i32
      %jit3A_742 = arith.constant 6 : i32
      %div3A_743 = arith.divsi %add3A_741, %jit3A_742 : i32
      %sign3A_744 = arith.constant 0 : i32
      %sign3A_745 = arith.cmpi sgt, %add3A_741, %sign3A_744 : i32
      %sign3A_746 = arith.extui %sign3A_745 : i1 to i32
      %sign3A_747 = arith.constant 0 : i32
      %sign3A_748 = arith.cmpi slt, %add3A_741, %sign3A_747 : i32
      %sign3A_749 = arith.extui %sign3A_748 : i1 to i32
      %sign3A_750 = arith.subi %sign3A_746, %sign3A_749 : i32
      %sign3A_751 = arith.constant 0 : i32
      %sign3A_752 = arith.cmpi sgt, %jit3A_742, %sign3A_751 : i32
      %sign3A_753 = arith.extui %sign3A_752 : i1 to i32
      %sign3A_754 = arith.constant 0 : i32
      %sign3A_755 = arith.cmpi slt, %jit3A_742, %sign3A_754 : i32
      %sign3A_756 = arith.extui %sign3A_755 : i1 to i32
      %sign3A_757 = arith.subi %sign3A_753, %sign3A_756 : i32
      %ne3A_758 = arith.cmpi ne, %sign3A_750, %sign3A_757 : i32
      %rem3A_759 = arith.remsi %add3A_741, %jit3A_742 : i32
      %ne3A_760 = arith.constant 0 : i32
      %ne3A_761 = arith.cmpi ne, %rem3A_759, %ne3A_760 : i32
      %and3A_762 = arith.andi %ne3A_758, %ne3A_761 : i1
      %sub3A_763 = arith.constant 1 : i32
      %sub3A_764 = arith.subi %div3A_743, %sub3A_763 : i32
      %select_n3A_765 = arith.select %and3A_762, %sub3A_764, %div3A_743 : i32
      %jit3A_766 = arith.constant 2 : i32
      %eq3A_767 = arith.constant 0 : i32
      %eq3A_768 = arith.cmpi eq, %jit3A_766, %eq3A_767 : i32
      %jit3A_769 = arith.constant 1 : i32
      %select_n3A_770 = arith.select %eq3A_768, %jit3A_769, %jit3A_766 : i32
      %rem3A_771 = arith.remsi %select_n3A_765, %select_n3A_770 : i32
      %ne3A_772 = arith.constant 0 : i32
      %ne3A_773 = arith.cmpi ne, %rem3A_771, %ne3A_772 : i32
      %lt3A_774 = arith.constant 0 : i32
      %lt3A_775 = arith.cmpi slt, %rem3A_771, %lt3A_774 : i32
      %lt3A_776 = arith.constant 0 : i32
      %lt3A_777 = arith.cmpi slt, %select_n3A_770, %lt3A_776 : i32
      %ne3A_778 = arith.xori %lt3A_775, %lt3A_777 : i1
      %and3A_779 = arith.andi %ne3A_778, %ne3A_773 : i1
      %add3A_780 = arith.addi %rem3A_771, %select_n3A_770 : i32
      %select_n3A_781 = arith.select %and3A_779, %add3A_780, %rem3A_771 : i32
      %jit3A_782 = arith.constant 6 : i32
      %eq3A_783 = arith.constant 0 : i32
      %eq3A_784 = arith.cmpi eq, %jit3A_782, %eq3A_783 : i32
      %jit3A_785 = arith.constant 1 : i32
      %select_n3A_786 = arith.select %eq3A_784, %jit3A_785, %jit3A_782 : i32
      %rem3A_787 = arith.remsi %add3A_741, %select_n3A_786 : i32
      %ne3A_788 = arith.constant 0 : i32
      %ne3A_789 = arith.cmpi ne, %rem3A_787, %ne3A_788 : i32
      %lt3A_790 = arith.constant 0 : i32
      %lt3A_791 = arith.cmpi slt, %rem3A_787, %lt3A_790 : i32
      %lt3A_792 = arith.constant 0 : i32
      %lt3A_793 = arith.cmpi slt, %select_n3A_786, %lt3A_792 : i32
      %ne3A_794 = arith.xori %lt3A_791, %lt3A_793 : i1
      %and3A_795 = arith.andi %ne3A_794, %ne3A_789 : i1
      %add3A_796 = arith.addi %rem3A_787, %select_n3A_786 : i32
      %select_n3A_797 = arith.select %and3A_795, %add3A_796, %rem3A_787 : i32
      %run_scoped3A_798 = arith.constant 2 : i32
      "tpu.region"() ({
        %run_scoped3A_870 = tpu.sem_alloc : memref<!tpu.dma_semaphore, #tpu.memory_space<semaphore_mem>>
        %dma_start3A_871 = arith.constant 0 : i32
        %dma_start3A_872 = arith.constant 0 : i32
        %dma_start3A_873 = tpu.memref_slice %arg8[%run_scoped3A_798, %dma_start3A_871, %dma_start3A_872] : memref<3x112x128xf32, #tpu.memory_space<vmem>> -> memref<1x112x128xf32, #tpu.memory_space<vmem>>
        %dma_start3A_874 = tpu.memref_squeeze %dma_start3A_873 : memref<1x112x128xf32, #tpu.memory_space<vmem>> -> memref<112x128xf32, #tpu.memory_space<vmem>>
        %dma_start3A_875 = arith.constant 0 : i32
        %dma_start3A_876 = tpu.memref_slice %arg7[%select_n3A_781, %select_n3A_797, %dma_start3A_875] : memref<2x6x112xi32, #tpu.memory_space<vmem>> -> memref<1x1x112xi32, #tpu.memory_space<vmem>>
        %dma_start3A_877 = tpu.memref_squeeze %dma_start3A_876 : memref<1x1x112xi32, #tpu.memory_space<vmem>> -> memref<112xi32, #tpu.memory_space<vmem>>
        %dma_start3A_878 = arith.constant 0 : i32
        %dma_start3A_879 = arith.constant 0 : i32
        %dma_start3A_880 = tpu.memref_slice %arg9[%dma_start3A_878, %dma_start3A_879] : memref<10112x128xf32, #tpu.memory_space<vmem_shared>> -> memref<10112x128xf32, #tpu.memory_space<vmem_shared>>
        tpu.enqueue_indirect_dma source(%dma_start3A_874 : memref<112x128xf32, #tpu.memory_space<vmem>>) target(%dma_start3A_880 : memref<10112x128xf32, #tpu.memory_space<vmem_shared>>) offsets(%dma_start3A_877 : memref<112xi32, #tpu.memory_space<vmem>>) semaphore(%run_scoped3A_870 : memref<!tpu.dma_semaphore, #tpu.memory_space<semaphore_mem>>) {add = true}
        %dma_wait3A_881 = arith.constant 0 : i32
        %dma_wait3A_882 = arith.constant 0 : i32
        %dma_wait3A_883 = tpu.memref_slice %arg8[%run_scoped3A_798, %dma_wait3A_881, %dma_wait3A_882] : memref<3x112x128xf32, #tpu.memory_space<vmem>> -> memref<1x112x128xf32, #tpu.memory_space<vmem>>
        %dma_wait3A_884 = tpu.memref_squeeze %dma_wait3A_883 : memref<1x112x128xf32, #tpu.memory_space<vmem>> -> memref<112x128xf32, #tpu.memory_space<vmem>>
        %dma_wait3A_885 = arith.constant 0 : i32
        %dma_wait3A_886 = tpu.memref_slice %arg7[%select_n3A_781, %select_n3A_797, %dma_wait3A_885] : memref<2x6x112xi32, #tpu.memory_space<vmem>> -> memref<1x1x112xi32, #tpu.memory_space<vmem>>
        %dma_wait3A_887 = tpu.memref_squeeze %dma_wait3A_886 : memref<1x1x112xi32, #tpu.memory_space<vmem>> -> memref<112xi32, #tpu.memory_space<vmem>>
        %dma_wait3A_888 = arith.constant 0 : i32
        %dma_wait3A_889 = arith.constant 0 : i32
        %dma_wait3A_890 = tpu.memref_slice %arg9[%dma_wait3A_888, %dma_wait3A_889] : memref<10112x128xf32, #tpu.memory_space<vmem_shared>> -> memref<10112x128xf32, #tpu.memory_space<vmem_shared>>
        tpu.wait_indirect_dma semaphore(%run_scoped3A_870 : memref<!tpu.dma_semaphore, #tpu.memory_space<semaphore_mem>>) src(%dma_wait3A_884 : memref<112x128xf32, #tpu.memory_space<vmem>>) dst(%dma_wait3A_890 : memref<10112x128xf32, #tpu.memory_space<vmem_shared>>)
        tpu.yield
      }) : () -> ()
      %add3A_799 = arith.constant 3 : i32
      %add3A_800 = arith.addi %add3A_419, %add3A_799 : i32
      %add3A_801 = arith.constant 2 : i32
      %add3A_802 = arith.addi %add3A_800, %add3A_801 : i32
      %jit3A_803 = arith.constant 6 : i32
      %div3A_804 = arith.divsi %add3A_802, %jit3A_803 : i32
      %sign3A_805 = arith.constant 0 : i32
      %sign3A_806 = arith.cmpi sgt, %add3A_802, %sign3A_805 : i32
      %sign3A_807 = arith.extui %sign3A_806 : i1 to i32
      %sign3A_808 = arith.constant 0 : i32
      %sign3A_809 = arith.cmpi slt, %add3A_802, %sign3A_808 : i32
      %sign3A_810 = arith.extui %sign3A_809 : i1 to i32
      %sign3A_811 = arith.subi %sign3A_807, %sign3A_810 : i32
      %sign3A_812 = arith.constant 0 : i32
      %sign3A_813 = arith.cmpi sgt, %jit3A_803, %sign3A_812 : i32
      %sign3A_814 = arith.extui %sign3A_813 : i1 to i32
      %sign3A_815 = arith.constant 0 : i32
      %sign3A_816 = arith.cmpi slt, %jit3A_803, %sign3A_815 : i32
      %sign3A_817 = arith.extui %sign3A_816 : i1 to i32
      %sign3A_818 = arith.subi %sign3A_814, %sign3A_817 : i32
      %ne3A_819 = arith.cmpi ne, %sign3A_811, %sign3A_818 : i32
      %rem3A_820 = arith.remsi %add3A_802, %jit3A_803 : i32
      %ne3A_821 = arith.constant 0 : i32
      %ne3A_822 = arith.cmpi ne, %rem3A_820, %ne3A_821 : i32
      %and3A_823 = arith.andi %ne3A_819, %ne3A_822 : i1
      %sub3A_824 = arith.constant 1 : i32
      %sub3A_825 = arith.subi %div3A_804, %sub3A_824 : i32
      %select_n3A_826 = arith.select %and3A_823, %sub3A_825, %div3A_804 : i32
      %jit3A_827 = arith.constant 2 : i32
      %eq3A_828 = arith.constant 0 : i32
      %eq3A_829 = arith.cmpi eq, %jit3A_827, %eq3A_828 : i32
      %jit3A_830 = arith.constant 1 : i32
      %select_n3A_831 = arith.select %eq3A_829, %jit3A_830, %jit3A_827 : i32
      %rem3A_832 = arith.remsi %select_n3A_826, %select_n3A_831 : i32
      %ne3A_833 = arith.constant 0 : i32
      %ne3A_834 = arith.cmpi ne, %rem3A_832, %ne3A_833 : i32
      %lt3A_835 = arith.constant 0 : i32
      %lt3A_836 = arith.cmpi slt, %rem3A_832, %lt3A_835 : i32
      %lt3A_837 = arith.constant 0 : i32
      %lt3A_838 = arith.cmpi slt, %select_n3A_831, %lt3A_837 : i32
      %ne3A_839 = arith.xori %lt3A_836, %lt3A_838 : i1
      %and3A_840 = arith.andi %ne3A_839, %ne3A_834 : i1
      %add3A_841 = arith.addi %rem3A_832, %select_n3A_831 : i32
      %select_n3A_842 = arith.select %and3A_840, %add3A_841, %rem3A_832 : i32
      %jit3A_843 = arith.constant 6 : i32
      %eq3A_844 = arith.constant 0 : i32
      %eq3A_845 = arith.cmpi eq, %jit3A_843, %eq3A_844 : i32
      %jit3A_846 = arith.constant 1 : i32
      %select_n3A_847 = arith.select %eq3A_845, %jit3A_846, %jit3A_843 : i32
      %rem3A_848 = arith.remsi %add3A_802, %select_n3A_847 : i32
      %ne3A_849 = arith.constant 0 : i32
      %ne3A_850 = arith.cmpi ne, %rem3A_848, %ne3A_849 : i32
      %lt3A_851 = arith.constant 0 : i32
      %lt3A_852 = arith.cmpi slt, %rem3A_848, %lt3A_851 : i32
      %lt3A_853 = arith.constant 0 : i32
      %lt3A_854 = arith.cmpi slt, %select_n3A_847, %lt3A_853 : i32
      %ne3A_855 = arith.xori %lt3A_852, %lt3A_854 : i1
      %and3A_856 = arith.andi %ne3A_855, %ne3A_850 : i1
      %add3A_857 = arith.addi %rem3A_848, %select_n3A_847 : i32
      %select_n3A_858 = arith.select %and3A_856, %add3A_857, %rem3A_848 : i32
      %dma_start3A_859 = arith.constant 2 : i32
      %dma_start3A_860 = arith.constant 0 : i32
      %dma_start3A_861 = arith.constant 0 : i32
      %dma_start3A_862 = tpu.memref_slice %arg8[%dma_start3A_859, %dma_start3A_860, %dma_start3A_861] : memref<3x112x128xf32, #tpu.memory_space<vmem>> -> memref<1x112x128xf32, #tpu.memory_space<vmem>>
      %dma_start3A_863 = tpu.memref_squeeze %dma_start3A_862 : memref<1x112x128xf32, #tpu.memory_space<vmem>> -> memref<112x128xf32, #tpu.memory_space<vmem>>
      %dma_start3A_864 = arith.constant 0 : i32
      %dma_start3A_865 = tpu.memref_slice %arg6[%select_n3A_842, %select_n3A_858, %dma_start3A_864] : memref<2x6x112xi32, #tpu.memory_space<vmem>> -> memref<1x1x112xi32, #tpu.memory_space<vmem>>
      %dma_start3A_866 = tpu.memref_squeeze %dma_start3A_865 : memref<1x1x112xi32, #tpu.memory_space<vmem>> -> memref<112xi32, #tpu.memory_space<vmem>>
      %dma_start3A_867 = arith.constant 0 : i32
      %dma_start3A_868 = arith.constant 0 : i32
      %dma_start3A_869 = tpu.memref_slice %arg2[%dma_start3A_867, %dma_start3A_868] : memref<10000x128xf32, #tpu.memory_space<hbm>> -> memref<10000x128xf32, #tpu.memory_space<hbm>>
      tpu.enqueue_indirect_dma source(%dma_start3A_869 : memref<10000x128xf32, #tpu.memory_space<hbm>>) target(%dma_start3A_863 : memref<112x128xf32, #tpu.memory_space<vmem>>) offsets(%dma_start3A_866 : memref<112xi32, #tpu.memory_space<vmem>>) semaphore(%arg12 : memref<!tpu.dma_semaphore, #tpu.memory_space<semaphore_mem>>)
    }
    %scan3A_361 = arith.constant 29 : i32
    %dma_wait3A_362 = arith.constant 0 : i32
    %dma_wait3A_363 = arith.constant 0 : i32
    %dma_wait3A_364 = arith.constant 0 : i32
    %dma_wait3A_365 = arith.constant 0 : i32
    %dma_wait3A_366 = arith.constant 0 : i32
    %dma_wait3A_367 = tpu.memref_slice %arg8[%dma_wait3A_364, %dma_wait3A_365, %dma_wait3A_366] : memref<3x112x128xf32, #tpu.memory_space<vmem>> -> memref<1x112x128xf32, #tpu.memory_space<vmem>>
    %dma_wait3A_368 = tpu.memref_squeeze %dma_wait3A_367 : memref<1x112x128xf32, #tpu.memory_space<vmem>> -> memref<112x128xf32, #tpu.memory_space<vmem>>
    %dma_wait3A_369 = arith.constant 0 : i32
    %dma_wait3A_370 = tpu.memref_slice %arg6[%dma_wait3A_362, %dma_wait3A_363, %dma_wait3A_369] : memref<2x6x112xi32, #tpu.memory_space<vmem>> -> memref<1x1x112xi32, #tpu.memory_space<vmem>>
    %dma_wait3A_371 = tpu.memref_squeeze %dma_wait3A_370 : memref<1x1x112xi32, #tpu.memory_space<vmem>> -> memref<112xi32, #tpu.memory_space<vmem>>
    %dma_wait3A_372 = arith.constant 0 : i32
    %dma_wait3A_373 = arith.constant 0 : i32
    %dma_wait3A_374 = tpu.memref_slice %arg2[%dma_wait3A_372, %dma_wait3A_373] : memref<10000x128xf32, #tpu.memory_space<hbm>> -> memref<10000x128xf32, #tpu.memory_space<hbm>>
    tpu.wait_indirect_dma semaphore(%arg10 : memref<!tpu.dma_semaphore, #tpu.memory_space<semaphore_mem>>) src(%dma_wait3A_374 : memref<10000x128xf32, #tpu.memory_space<hbm>>) dst(%dma_wait3A_368 : memref<112x128xf32, #tpu.memory_space<vmem>>)
    %run_scoped3A_375 = arith.constant 0 : i32
    %run_scoped3A_376 = arith.constant 0 : i32
    %run_scoped3A_377 = arith.constant 3 : i32
    "tpu.region"() ({
      %run_scoped3A_415 = tpu.sem_alloc : memref<!tpu.dma_semaphore, #tpu.memory_space<semaphore_mem>>
      %dma_start3A_416 = arith.constant 0 : i32
      %dma_start3A_417 = arith.constant 0 : i32
      %dma_start3A_418 = tpu.memref_slice %arg8[%run_scoped3A_375, %dma_start3A_416, %dma_start3A_417] : memref<3x112x128xf32, #tpu.memory_space<vmem>> -> memref<1x112x128xf32, #tpu.memory_space<vmem>>
      %dma_start3A_419 = tpu.memref_squeeze %dma_start3A_418 : memref<1x112x128xf32, #tpu.memory_space<vmem>> -> memref<112x128xf32, #tpu.memory_space<vmem>>
      %dma_start3A_420 = arith.constant 0 : i32
      %dma_start3A_421 = tpu.memref_slice %arg7[%run_scoped3A_376, %run_scoped3A_377, %dma_start3A_420] : memref<2x6x112xi32, #tpu.memory_space<vmem>> -> memref<1x1x112xi32, #tpu.memory_space<vmem>>
      %dma_start3A_422 = tpu.memref_squeeze %dma_start3A_421 : memref<1x1x112xi32, #tpu.memory_space<vmem>> -> memref<112xi32, #tpu.memory_space<vmem>>
      %dma_start3A_423 = arith.constant 0 : i32
      %dma_start3A_424 = arith.constant 0 : i32
      %dma_start3A_425 = tpu.memref_slice %arg9[%dma_start3A_423, %dma_start3A_424] : memref<10112x128xf32, #tpu.memory_space<vmem_shared>> -> memref<10112x128xf32, #tpu.memory_space<vmem_shared>>
      tpu.enqueue_indirect_dma source(%dma_start3A_419 : memref<112x128xf32, #tpu.memory_space<vmem>>) target(%dma_start3A_425 : memref<10112x128xf32, #tpu.memory_space<vmem_shared>>) offsets(%dma_start3A_422 : memref<112xi32, #tpu.memory_space<vmem>>) semaphore(%run_scoped3A_415 : memref<!tpu.dma_semaphore, #tpu.memory_space<semaphore_mem>>) {add = true}
      %dma_wait3A_426 = arith.constant 0 : i32
      %dma_wait3A_427 = arith.constant 0 : i32
      %dma_wait3A_428 = tpu.memref_slice %arg8[%run_scoped3A_375, %dma_wait3A_426, %dma_wait3A_427] : memref<3x112x128xf32, #tpu.memory_space<vmem>> -> memref<1x112x128xf32, #tpu.memory_space<vmem>>
      %dma_wait3A_429 = tpu.memref_squeeze %dma_wait3A_428 : memref<1x112x128xf32, #tpu.memory_space<vmem>> -> memref<112x128xf32, #tpu.memory_space<vmem>>
      %dma_wait3A_430 = arith.constant 0 : i32
      %dma_wait3A_431 = tpu.memref_slice %arg7[%run_scoped3A_376, %run_scoped3A_377, %dma_wait3A_430] : memref<2x6x112xi32, #tpu.memory_space<vmem>> -> memref<1x1x112xi32, #tpu.memory_space<vmem>>
      %dma_wait3A_432 = tpu.memref_squeeze %dma_wait3A_431 : memref<1x1x112xi32, #tpu.memory_space<vmem>> -> memref<112xi32, #tpu.memory_space<vmem>>
      %dma_wait3A_433 = arith.constant 0 : i32
      %dma_wait3A_434 = arith.constant 0 : i32
      %dma_wait3A_435 = tpu.memref_slice %arg9[%dma_wait3A_433, %dma_wait3A_434] : memref<10112x128xf32, #tpu.memory_space<vmem_shared>> -> memref<10112x128xf32, #tpu.memory_space<vmem_shared>>
      tpu.wait_indirect_dma semaphore(%run_scoped3A_415 : memref<!tpu.dma_semaphore, #tpu.memory_space<semaphore_mem>>) src(%dma_wait3A_429 : memref<112x128xf32, #tpu.memory_space<vmem>>) dst(%dma_wait3A_435 : memref<10112x128xf32, #tpu.memory_space<vmem_shared>>)
      tpu.yield
    }) : () -> ()
    %dma_wait3A_378 = arith.constant 0 : i32
    %dma_wait3A_379 = arith.constant 0 : i32
    %dma_wait3A_380 = arith.constant 1 : i32
    %dma_wait3A_381 = arith.constant 0 : i32
    %dma_wait3A_382 = arith.constant 0 : i32
    %dma_wait3A_383 = tpu.memref_slice %arg8[%dma_wait3A_380, %dma_wait3A_381, %dma_wait3A_382] : memref<3x112x128xf32, #tpu.memory_space<vmem>> -> memref<1x112x128xf32, #tpu.memory_space<vmem>>
    %dma_wait3A_384 = tpu.memref_squeeze %dma_wait3A_383 : memref<1x112x128xf32, #tpu.memory_space<vmem>> -> memref<112x128xf32, #tpu.memory_space<vmem>>
    %dma_wait3A_385 = arith.constant 0 : i32
    %dma_wait3A_386 = tpu.memref_slice %arg6[%dma_wait3A_378, %dma_wait3A_379, %dma_wait3A_385] : memref<2x6x112xi32, #tpu.memory_space<vmem>> -> memref<1x1x112xi32, #tpu.memory_space<vmem>>
    %dma_wait3A_387 = tpu.memref_squeeze %dma_wait3A_386 : memref<1x1x112xi32, #tpu.memory_space<vmem>> -> memref<112xi32, #tpu.memory_space<vmem>>
    %dma_wait3A_388 = arith.constant 0 : i32
    %dma_wait3A_389 = arith.constant 0 : i32
    %dma_wait3A_390 = tpu.memref_slice %arg2[%dma_wait3A_388, %dma_wait3A_389] : memref<10000x128xf32, #tpu.memory_space<hbm>> -> memref<10000x128xf32, #tpu.memory_space<hbm>>
    tpu.wait_indirect_dma semaphore(%arg11 : memref<!tpu.dma_semaphore, #tpu.memory_space<semaphore_mem>>) src(%dma_wait3A_390 : memref<10000x128xf32, #tpu.memory_space<hbm>>) dst(%dma_wait3A_384 : memref<112x128xf32, #tpu.memory_space<vmem>>)
    %run_scoped3A_391 = arith.constant 1 : i32
    %run_scoped3A_392 = arith.constant 0 : i32
    %run_scoped3A_393 = arith.constant 4 : i32
    "tpu.region"() ({
      %run_scoped3A_415 = tpu.sem_alloc : memref<!tpu.dma_semaphore, #tpu.memory_space<semaphore_mem>>
      %dma_start3A_416 = arith.constant 0 : i32
      %dma_start3A_417 = arith.constant 0 : i32
      %dma_start3A_418 = tpu.memref_slice %arg8[%run_scoped3A_391, %dma_start3A_416, %dma_start3A_417] : memref<3x112x128xf32, #tpu.memory_space<vmem>> -> memref<1x112x128xf32, #tpu.memory_space<vmem>>
      %dma_start3A_419 = tpu.memref_squeeze %dma_start3A_418 : memref<1x112x128xf32, #tpu.memory_space<vmem>> -> memref<112x128xf32, #tpu.memory_space<vmem>>
      %dma_start3A_420 = arith.constant 0 : i32
      %dma_start3A_421 = tpu.memref_slice %arg7[%run_scoped3A_392, %run_scoped3A_393, %dma_start3A_420] : memref<2x6x112xi32, #tpu.memory_space<vmem>> -> memref<1x1x112xi32, #tpu.memory_space<vmem>>
      %dma_start3A_422 = tpu.memref_squeeze %dma_start3A_421 : memref<1x1x112xi32, #tpu.memory_space<vmem>> -> memref<112xi32, #tpu.memory_space<vmem>>
      %dma_start3A_423 = arith.constant 0 : i32
      %dma_start3A_424 = arith.constant 0 : i32
      %dma_start3A_425 = tpu.memref_slice %arg9[%dma_start3A_423, %dma_start3A_424] : memref<10112x128xf32, #tpu.memory_space<vmem_shared>> -> memref<10112x128xf32, #tpu.memory_space<vmem_shared>>
      tpu.enqueue_indirect_dma source(%dma_start3A_419 : memref<112x128xf32, #tpu.memory_space<vmem>>) target(%dma_start3A_425 : memref<10112x128xf32, #tpu.memory_space<vmem_shared>>) offsets(%dma_start3A_422 : memref<112xi32, #tpu.memory_space<vmem>>) semaphore(%run_scoped3A_415 : memref<!tpu.dma_semaphore, #tpu.memory_space<semaphore_mem>>) {add = true}
      %dma_wait3A_426 = arith.constant 0 : i32
      %dma_wait3A_427 = arith.constant 0 : i32
      %dma_wait3A_428 = tpu.memref_slice %arg8[%run_scoped3A_391, %dma_wait3A_426, %dma_wait3A_427] : memref<3x112x128xf32, #tpu.memory_space<vmem>> -> memref<1x112x128xf32, #tpu.memory_space<vmem>>
      %dma_wait3A_429 = tpu.memref_squeeze %dma_wait3A_428 : memref<1x112x128xf32, #tpu.memory_space<vmem>> -> memref<112x128xf32, #tpu.memory_space<vmem>>
      %dma_wait3A_430 = arith.constant 0 : i32
      %dma_wait3A_431 = tpu.memref_slice %arg7[%run_scoped3A_392, %run_scoped3A_393, %dma_wait3A_430] : memref<2x6x112xi32, #tpu.memory_space<vmem>> -> memref<1x1x112xi32, #tpu.memory_space<vmem>>
      %dma_wait3A_432 = tpu.memref_squeeze %dma_wait3A_431 : memref<1x1x112xi32, #tpu.memory_space<vmem>> -> memref<112xi32, #tpu.memory_space<vmem>>
      %dma_wait3A_433 = arith.constant 0 : i32
      %dma_wait3A_434 = arith.constant 0 : i32
      %dma_wait3A_435 = tpu.memref_slice %arg9[%dma_wait3A_433, %dma_wait3A_434] : memref<10112x128xf32, #tpu.memory_space<vmem_shared>> -> memref<10112x128xf32, #tpu.memory_space<vmem_shared>>
      tpu.wait_indirect_dma semaphore(%run_scoped3A_415 : memref<!tpu.dma_semaphore, #tpu.memory_space<semaphore_mem>>) src(%dma_wait3A_429 : memref<112x128xf32, #tpu.memory_space<vmem>>) dst(%dma_wait3A_435 : memref<10112x128xf32, #tpu.memory_space<vmem_shared>>)
      tpu.yield
    }) : () -> ()
    %dma_wait3A_394 = arith.constant 0 : i32
    %dma_wait3A_395 = arith.constant 0 : i32
    %dma_wait3A_396 = arith.constant 2 : i32
    %dma_wait3A_397 = arith.constant 0 : i32
    %dma_wait3A_398 = arith.constant 0 : i32
    %dma_wait3A_399 = tpu.memref_slice %arg8[%dma_wait3A_396, %dma_wait3A_397, %dma_wait3A_398] : memref<3x112x128xf32, #tpu.memory_space<vmem>> -> memref<1x112x128xf32, #tpu.memory_space<vmem>>
    %dma_wait3A_400 = tpu.memref_squeeze %dma_wait3A_399 : memref<1x112x128xf32, #tpu.memory_space<vmem>> -> memref<112x128xf32, #tpu.memory_space<vmem>>
    %dma_wait3A_401 = arith.constant 0 : i32
    %dma_wait3A_402 = tpu.memref_slice %arg6[%dma_wait3A_394, %dma_wait3A_395, %dma_wait3A_401] : memref<2x6x112xi32, #tpu.memory_space<vmem>> -> memref<1x1x112xi32, #tpu.memory_space<vmem>>
    %dma_wait3A_403 = tpu.memref_squeeze %dma_wait3A_402 : memref<1x1x112xi32, #tpu.memory_space<vmem>> -> memref<112xi32, #tpu.memory_space<vmem>>
    %dma_wait3A_404 = arith.constant 0 : i32
    %dma_wait3A_405 = arith.constant 0 : i32
    %dma_wait3A_406 = tpu.memref_slice %arg2[%dma_wait3A_404, %dma_wait3A_405] : memref<10000x128xf32, #tpu.memory_space<hbm>> -> memref<10000x128xf32, #tpu.memory_space<hbm>>
    tpu.wait_indirect_dma semaphore(%arg12 : memref<!tpu.dma_semaphore, #tpu.memory_space<semaphore_mem>>) src(%dma_wait3A_406 : memref<10000x128xf32, #tpu.memory_space<hbm>>) dst(%dma_wait3A_400 : memref<112x128xf32, #tpu.memory_space<vmem>>)
    %run_scoped3A_407 = arith.constant 2 : i32
    %run_scoped3A_408 = arith.constant 0 : i32
    %run_scoped3A_409 = arith.constant 5 : i32
    "tpu.region"() ({
      %run_scoped3A_415 = tpu.sem_alloc : memref<!tpu.dma_semaphore, #tpu.memory_space<semaphore_mem>>
      %dma_start3A_416 = arith.constant 0 : i32
      %dma_start3A_417 = arith.constant 0 : i32
      %dma_start3A_418 = tpu.memref_slice %arg8[%run_scoped3A_407, %dma_start3A_416, %dma_start3A_417] : memref<3x112x128xf32, #tpu.memory_space<vmem>> -> memref<1x112x128xf32, #tpu.memory_space<vmem>>
      %dma_start3A_419 = tpu.memref_squeeze %dma_start3A_418 : memref<1x112x128xf32, #tpu.memory_space<vmem>> -> memref<112x128xf32, #tpu.memory_space<vmem>>
      %dma_start3A_420 = arith.constant 0 : i32
      %dma_start3A_421 = tpu.memref_slice %arg7[%run_scoped3A_408, %run_scoped3A_409, %dma_start3A_420] : memref<2x6x112xi32, #tpu.memory_space<vmem>> -> memref<1x1x112xi32, #tpu.memory_space<vmem>>
      %dma_start3A_422 = tpu.memref_squeeze %dma_start3A_421 : memref<1x1x112xi32, #tpu.memory_space<vmem>> -> memref<112xi32, #tpu.memory_space<vmem>>
      %dma_start3A_423 = arith.constant 0 : i32
      %dma_start3A_424 = arith.constant 0 : i32
      %dma_start3A_425 = tpu.memref_slice %arg9[%dma_start3A_423, %dma_start3A_424] : memref<10112x128xf32, #tpu.memory_space<vmem_shared>> -> memref<10112x128xf32, #tpu.memory_space<vmem_shared>>
      tpu.enqueue_indirect_dma source(%dma_start3A_419 : memref<112x128xf32, #tpu.memory_space<vmem>>) target(%dma_start3A_425 : memref<10112x128xf32, #tpu.memory_space<vmem_shared>>) offsets(%dma_start3A_422 : memref<112xi32, #tpu.memory_space<vmem>>) semaphore(%run_scoped3A_415 : memref<!tpu.dma_semaphore, #tpu.memory_space<semaphore_mem>>) {add = true}
      %dma_wait3A_426 = arith.constant 0 : i32
      %dma_wait3A_427 = arith.constant 0 : i32
      %dma_wait3A_428 = tpu.memref_slice %arg8[%run_scoped3A_407, %dma_wait3A_426, %dma_wait3A_427] : memref<3x112x128xf32, #tpu.memory_space<vmem>> -> memref<1x112x128xf32, #tpu.memory_space<vmem>>
      %dma_wait3A_429 = tpu.memref_squeeze %dma_wait3A_428 : memref<1x112x128xf32, #tpu.memory_space<vmem>> -> memref<112x128xf32, #tpu.memory_space<vmem>>
      %dma_wait3A_430 = arith.constant 0 : i32
      %dma_wait3A_431 = tpu.memref_slice %arg7[%run_scoped3A_408, %run_scoped3A_409, %dma_wait3A_430] : memref<2x6x112xi32, #tpu.memory_space<vmem>> -> memref<1x1x112xi32, #tpu.memory_space<vmem>>
      %dma_wait3A_432 = tpu.memref_squeeze %dma_wait3A_431 : memref<1x1x112xi32, #tpu.memory_space<vmem>> -> memref<112xi32, #tpu.memory_space<vmem>>
      %dma_wait3A_433 = arith.constant 0 : i32
      %dma_wait3A_434 = arith.constant 0 : i32
      %dma_wait3A_435 = tpu.memref_slice %arg9[%dma_wait3A_433, %dma_wait3A_434] : memref<10112x128xf32, #tpu.memory_space<vmem_shared>> -> memref<10112x128xf32, #tpu.memory_space<vmem_shared>>
      tpu.wait_indirect_dma semaphore(%run_scoped3A_415 : memref<!tpu.dma_semaphore, #tpu.memory_space<semaphore_mem>>) src(%dma_wait3A_429 : memref<112x128xf32, #tpu.memory_space<vmem>>) dst(%dma_wait3A_435 : memref<10112x128xf32, #tpu.memory_space<vmem_shared>>)
      tpu.yield
    }) : () -> ()
    %barrier3A_410 = arith.constant 0 : index
    tpu.barrier barrier_id(%barrier3A_410)
    %mul3A_411 = arith.constant 632 : i32
    %mul3A_412 = arith.muli %arg1, %mul3A_411 : i32
    %mul3A_413 = arith.constant 632 : i32
    %mul3A_414 = arith.muli %arg1, %mul3A_413 : i32
    "tpu.region"() ({
      %run_scoped3A_415 = tpu.sem_alloc : memref<!tpu.dma_semaphore, #tpu.memory_space<semaphore_mem>>
      %dma_start3A_416 = arith.constant 0 : i32
      %dma_start3A_417 = tpu.memref_slice %arg5[%arg0, %mul3A_414, %dma_start3A_416] : memref<2x10112x128xf32, #tpu.memory_space<hbm>> -> memref<1x632x128xf32, #tpu.memory_space<hbm>>
      %dma_start3A_418 = tpu.memref_squeeze %dma_start3A_417 : memref<1x632x128xf32, #tpu.memory_space<hbm>> -> memref<632x128xf32, #tpu.memory_space<hbm>>
      %dma_start3A_419 = arith.constant 0 : i32
      %dma_start3A_420 = tpu.memref_slice %arg9[%mul3A_412, %dma_start3A_419] : memref<10112x128xf32, #tpu.memory_space<vmem_shared>> -> memref<632x128xf32, #tpu.memory_space<vmem_shared>>
      tpu.enqueue_dma source(%dma_start3A_420 : memref<632x128xf32, #tpu.memory_space<vmem_shared>>) target(%dma_start3A_418 : memref<632x128xf32, #tpu.memory_space<hbm>>) target_semaphore(%run_scoped3A_415 : memref<!tpu.dma_semaphore, #tpu.memory_space<semaphore_mem>>)
      %dma_wait3A_421 = arith.constant 0 : i32
      %dma_wait3A_422 = tpu.memref_slice %arg5[%arg0, %mul3A_414, %dma_wait3A_421] : memref<2x10112x128xf32, #tpu.memory_space<hbm>> -> memref<1x632x128xf32, #tpu.memory_space<hbm>>
      %dma_wait3A_423 = tpu.memref_squeeze %dma_wait3A_422 : memref<1x632x128xf32, #tpu.memory_space<hbm>> -> memref<632x128xf32, #tpu.memory_space<hbm>>
      %dma_wait3A_424 = arith.constant 0 : i32
      %dma_wait3A_425 = tpu.memref_slice %arg9[%mul3A_412, %dma_wait3A_424] : memref<10112x128xf32, #tpu.memory_space<vmem_shared>> -> memref<632x128xf32, #tpu.memory_space<vmem_shared>>
      tpu.wait_dma2 semaphore(%run_scoped3A_415 : memref<!tpu.dma_semaphore, #tpu.memory_space<semaphore_mem>>) src(%dma_wait3A_425 : memref<632x128xf32, #tpu.memory_space<vmem_shared>>) dst(%dma_wait3A_423 : memref<632x128xf32, #tpu.memory_space<hbm>>)
      tpu.yield
    }) : () -> ()
    return
  }
}

module attributes {stable_mosaic.version = 14 : i64} {
  func.func @_mm_body(%arg0: i32, %arg1: memref<2000x128xf32, #tpu.memory_space<vmem>>, %arg2: memref<128x128xf32, #tpu.memory_space<vmem>>, %arg3: memref<1x128xf32, #tpu.memory_space<vmem>>, %arg4: memref<2000x128xf32, #tpu.memory_space<vmem>>) attributes {dimension_semantics = [#tpu.dimension_semantics<arbitrary>], iteration_bounds = array<i64: 5>, scalar_prefetch = 0 : i64, scratch_operands = 0 : i64, tpu.core_type = #tpu.core_type<tc>, window_params = [{transform_indices = @transform_0, window_bounds = array<i64: 2000, 128>}, {pipeline_mode = #tpu.pipeline_mode<synchronous>, transform_indices = @transform_1, window_bounds = array<i64: 128, 128>}, {pipeline_mode = #tpu.pipeline_mode<synchronous>, transform_indices = @transform_2, window_bounds = array<i64: 1, 128>}, {transform_indices = @transform_3, window_bounds = array<i64: 2000, 128>}]} {
    %get3A = arith.constant 0 : index
    %get3A_0 = arith.constant 0 : index
    %get3A_1 = vector.load %arg1[%get3A, %get3A_0] : memref<2000x128xf32, #tpu.memory_space<vmem>>, vector<2000x128xf32>
    %get3A_2 = arith.constant 0 : index
    %get3A_3 = arith.constant 0 : index
    %get3A_4 = vector.load %arg2[%get3A_2, %get3A_3] : memref<128x128xf32, #tpu.memory_space<vmem>>, vector<128x128xf32>
    %dot_general3A = arith.constant dense<0.000000e+00> : vector<2000x128xf32>
    %dot_general3A_5 = tpu.matmul %get3A_1, %get3A_4, %dot_general3A {dimension_numbers = #tpu.dot_dimension_numbers<[1], [0], [0], [1], [0, 0, 1, 1], [], []>, transpose_lhs_hint = false} : vector<2000x128xf32>, vector<128x128xf32>, vector<2000x128xf32> -> vector<2000x128xf32>
    %get3A_6 = arith.constant 0 : index
    %get3A_7 = arith.constant 0 : index
    %get3A_8 = vector.load %arg3[%get3A_6, %get3A_7] : memref<1x128xf32, #tpu.memory_space<vmem>>, vector<1x128xf32>
    %add3A = vector.broadcast %get3A_8 : vector<1x128xf32> to vector<2000x128xf32>
    %add3A_9 = arith.addf %dot_general3A_5, %add3A : vector<2000x128xf32>
    %swap3A = arith.constant 0 : index
    %swap3A_10 = arith.constant 0 : index
    %swap3A_11 = vector.load %arg4[%swap3A, %swap3A_10] : memref<2000x128xf32, #tpu.memory_space<vmem>>, vector<2000x128xf32>
    tpu.vector_store %arg4[%swap3A, %swap3A_10], %add3A_9 {strides = array<i32>} : memref<2000x128xf32, #tpu.memory_space<vmem>>, vector<2000x128xf32>,
    return
  }
  func.func @transform_0(%arg0: i32) -> (i32, i32) {
    %c0_i32 = arith.constant 0 : i32
    %c0_i32_0 = arith.constant 0 : i32
    return %arg0, %c0_i32 : i32, i32
  }
  func.func @transform_1(%arg0: i32) -> (i32, i32) {
    %c0_i32 = arith.constant 0 : i32
    %c0_i32_0 = arith.constant 0 : i32
    %c0_i32_1 = arith.constant 0 : i32
    return %c0_i32, %c0_i32_0 : i32, i32
  }
  func.func @transform_2(%arg0: i32) -> (i32, i32) {
    %c0_i32 = arith.constant 0 : i32
    %c0_i32_0 = arith.constant 0 : i32
    %c0_i32_1 = arith.constant 0 : i32
    return %c0_i32, %c0_i32_0 : i32, i32
  }
  func.func @transform_3(%arg0: i32) -> (i32, i32) {
    %c0_i32 = arith.constant 0 : i32
    %c0_i32_0 = arith.constant 0 : i32
    return %arg0, %c0_i32 : i32, i32
  }
}

module attributes {stable_mosaic.version = 14 : i64} {
  func.func @_fin_body(%arg0: i32, %arg1: memref<2x5000x128xf32, #tpu.memory_space<vmem>>, %arg2: memref<1x1xf32, #tpu.memory_space<vmem>>, %arg3: memref<1x5000x128xf32, #tpu.memory_space<vmem>>) attributes {dimension_semantics = [#tpu.dimension_semantics<arbitrary>], iteration_bounds = array<i64: 2>, scalar_prefetch = 0 : i64, scratch_operands = 0 : i64, tpu.core_type = #tpu.core_type<tc>, window_params = [{transform_indices = @transform_0, window_bounds = array<i64: 2, 5000, 128>}, {pipeline_mode = #tpu.pipeline_mode<synchronous>, transform_indices = @transform_1, window_bounds = array<i64: 1, 1>}, {transform_indices = @transform_2, window_bounds = array<i64: 1, 5000, 128>}]} {
    %get3A = arith.constant 0 : index
    %get3A_0 = arith.constant 0 : index
    %get3A_1 = arith.constant 0 : index
    %get3A_2 = vector.load %arg1[%get3A, %get3A_0, %get3A_1] : memref<2x5000x128xf32, #tpu.memory_space<vmem>>, vector<1x5000x128xf32>
    %get3A_3 = vector.shape_cast %get3A_2 : vector<1x5000x128xf32> to vector<5000x128xf32>
    %get3A_4 = arith.constant 1 : index
    %get3A_5 = arith.constant 0 : index
    %get3A_6 = arith.constant 0 : index
    %get3A_7 = vector.load %arg1[%get3A_4, %get3A_5, %get3A_6] : memref<2x5000x128xf32, #tpu.memory_space<vmem>>, vector<1x5000x128xf32>
    %get3A_8 = vector.shape_cast %get3A_7 : vector<1x5000x128xf32> to vector<5000x128xf32>
    %add3A = arith.addf %get3A_3, %get3A_8 : vector<5000x128xf32>
    %ge3A = arith.constant 0.000000e+00 : f32
    %ge3A_9 = vector.broadcast %ge3A : f32 to vector<5000x128xf32>
    %ge3A_10 = arith.cmpf oge, %add3A, %ge3A_9 : vector<5000x128xf32>
    %get3A_11 = arith.constant 0 : index
    %get3A_12 = arith.constant 0 : index
    %get3A_13 = vector.load %arg2[%get3A_11, %get3A_12] : memref<1x1xf32, #tpu.memory_space<vmem>>, vector<1x1xf32>
    %get3A_14 = vector.extract %get3A_13[0, 0] : f32 from vector<1x1xf32>
    %mul3A = vector.broadcast %get3A_14 : f32 to vector<5000x128xf32>
    %mul3A_15 = arith.mulf %mul3A, %add3A : vector<5000x128xf32>
    %select_n3A = arith.select %ge3A_10, %add3A, %mul3A_15 : vector<5000x128xi1>, vector<5000x128xf32>
    %swap3A = arith.constant 0 : index
    %swap3A_16 = arith.constant 0 : index
    %swap3A_17 = arith.constant 0 : index
    %swap3A_18 = vector.load %arg3[%swap3A, %swap3A_16, %swap3A_17] : memref<1x5000x128xf32, #tpu.memory_space<vmem>>, vector<1x5000x128xf32>
    %swap3A_19 = vector.shape_cast %swap3A_18 : vector<1x5000x128xf32> to vector<5000x128xf32>
    %swap3A_20 = vector.shape_cast %select_n3A : vector<5000x128xf32> to vector<1x5000x128xf32>
    tpu.vector_store %arg3[%swap3A, %swap3A_16, %swap3A_17], %swap3A_20 {strides = array<i32>} : memref<1x5000x128xf32, #tpu.memory_space<vmem>>, vector<1x5000x128xf32>,
    return
  }
  func.func @transform_0(%arg0: i32) -> (i32, i32, i32) {
    %c0_i32 = arith.constant 0 : i32
    %c0_i32_0 = arith.constant 0 : i32
    %c0_i32_1 = arith.constant 0 : i32
    return %c0_i32, %arg0, %c0_i32_0 : i32, i32, i32
  }
  func.func @transform_1(%arg0: i32) -> (i32, i32) {
    %c0_i32 = arith.constant 0 : i32
    %c0_i32_0 = arith.constant 0 : i32
    %c0_i32_1 = arith.constant 0 : i32
    return %c0_i32, %c0_i32_0 : i32, i32
  }
  func.func @transform_2(%arg0: i32) -> (i32, i32, i32) {
    %c0_i32 = arith.constant 0 : i32
    %c0_i32_0 = arith.constant 0 : i32
    %c0_i32_1 = arith.constant 0 : i32
    return %c0_i32, %arg0, %c0_i32_0 : i32, i32, i32
  }
}

</mosaic_0001>

<sc_bundles>
// kernel: kernel.5.cloned.1.call-start
scs
__scs_entry_jumppad:
0x0: {  	(pc) =	sbr.rel $0x88, $3  }
0x1: {  	(tag) =	ssettag $0x0;
	lr =	simm.s32 $0x1  }
0x2: {  	[smem:$0x3F9C] =	sst lr;
	_ =	strace $0xD0000000  }
0x3: {  	_ = 	snop  }
0x4: {  	_ = 	snop  }
0x5: {  	_ = 	snop  }
0x6: {  	_ = 	snop  }
0x7: {  	_ = 	snop  }
__scs_overlays_trampoline_lowered:
0x8: {  	[smem:$0x3FAB] =	sst s0  }
0x9: {  	[smem:$0x3FAC] =	sst s1  }
0xa: {  	[smem:$0x3FAD] =	sst s2  }
0xb: {  	[smem:$0x3FAE] =	sst s3  }
0xc: {  	[smem:$0x3FAF] =	sst s4  }
0xd: {  	[smem:$0x3FB0] =	sst s5  }
0xe: {  	[smem:$0x3FB1] =	sst s6  }
0xf: {  	[smem:$0x3FB2] =	sst s7  }
0x10: {  	[smem:$0x3FB3] =	sst s8  }
0x11: {  	[smem:$0x3FB4] =	sst s9;
	s0 =	simm.s32 @!p0 $0x0  }
0x12: {  	s1 =	sld [smem:$0x3F9A];
	s0 =	simm.s32 @p0 $0x1  }
0x13: {  	[smem:$0x3FB5] =	sst s0;
	s0 =	simm.s32 @!p1 $0x0  }
0x14: {  	s2 =	sld [smem:$0x3F99];
	s0 =	simm.s32 @p1 $0x1  }
0x15: {  	[smem:$0x3FB6] =	sst s0;
	s0 =	simm.s32 @!p2 $0x0  }
0x16: {  	s3 =	sld [smem:$0x3FDB];
	s0 =	simm.s32 @p2 $0x1  }
0x17: {  	s4 =	simm.s32 $0x1BF5;
	[smem:$0x3FB8] =	sst s0  }
0x18: {  	s0 =	sld [smem:$0x3F9B];
	_ =	swait.ge [sflag:s4], $0x0  }
0x19: {  	s7 =	sld [smem:$0x3F9C]  }
0x1a: {  	s8 =	sadd.s32 $0xFFFFE003, lr  }
0x1b: {  	s9 =	sadd.s32 $0xFFFFFEF7, lr;
	s5 =	simm.s32 $0xFFFFFFFF;
	p2 =	slt.u32 s8, $0xFFFFF086  }
0x1c: {  	p1 =	slt.u32 s9, $0xF7A;
	s5 =	simm.s32 @!p2 $0x0  }
0x1d: {  	s5 =	simm.s32 @p1 $0x1;
	p0 =	seq.s32 s7, s2  }
0x1e: {  	s7 =	smul.u32 @!p0 $0xF7A, s2;
	p2 =	seq.s32 @!p0 s5, $0x0  }
0x1f: {  	s9 =	smul.u32 $0xF7A, s1;
	s8 =	simm.s32 @!p0 $0x1BF5;
	p2 =	por !p2, p0  }
0x20: {  	[sflag:s8] =	ssyncset.s32 @!p0 $0xFFFFF086;
	s6 =	sadd.s32 @!p0 s3, s7;
	s7 =	simm.s32 @!p0 $0x108  }
0x21: {  	s3 =	sadd.s32 s3, s9;
	s6 =	sadd.s32 @!p0 $0x88, s6;
	s7 =	simm.s32 @p2 $0x1082  }
0x22: {  	[simem:s7], [sflag:s8] =	dma.local @!p0 [hbm:s6], $0xF7A  }
0x23: {  	s9 =	sor.u32 $0xD0000000, s2;
	s6 =	simm.s32 $0x108;
	_ =	swait.ge @!p0 [sflag:s8], $0x0  }
0x24: {  	s3 =	sadd.s32 $0x88, s3;
	s6 =	simm.s32 @!p1 $0x1082;
	[sflag:s4] =	ssyncset.s32 $0xFFFFF086  }
0x25: {  	[simem:s6], [sflag:s4] =	dma.local [hbm:s3], $0xF7A  }
0x26: {  	[smem:$0x3F9C] =	sst s1;
	(tag) =	ssettag s2;
	_ =	strace s9  }
0x27: {  	s1 =	sld [smem:$0x3FAC]  }
0x28: {  	s2 =	sld [smem:$0x3FAD]  }
0x29: {  	s4 =	sld [smem:$0x3FAF]  }
0x2a: {  	p0 =	seq.s32 s5, $0x0;
	s5 =	sld [smem:$0x3FB0]  }
0x2b: {  	s6 =	sld [smem:$0x3FB1]  }
0x2c: {  	s7 =	sld [smem:$0x3FB2]  }
0x2d: {  	s3 =	simm.s32 $0x108;
	s8 =	sld [smem:$0x3FB3]  }
0x2e: {  	s3 =	simm.s32 @!p0 $0x1082;
	s9 =	sld [smem:$0x3FB4]  }
0x2f: {  	lr =	sadd.s32 s0, s3;
	s0 =	sld [smem:$0x3FAB]  }
0x30: {  	s3 =	sld [smem:$0x3FAE]  }
0x31: {  	[smem:$0x3FB7] =	sst s10  }
0x32: {  	s10 =	sld [smem:$0x3FB5];
	_ =	sdelay $0x3  }
0x33: {  	p0 =	seq.s32 s10, $0x1;
	s10 =	sld [smem:$0x3FB7];
	_ =	sdelay $0x3  }
0x34: {  	[smem:$0x3FB7] =	sst s10  }
0x35: {  	s10 =	sld [smem:$0x3FB6];
	_ =	sdelay $0x3  }
0x36: {  	p1 =	seq.s32 s10, $0x1;
	s10 =	sld [smem:$0x3FB7];
	_ =	sdelay $0x3  }
0x37: {  	[smem:$0x3FB7] =	sst s10  }
0x38: {  	s10 =	sld [smem:$0x3FB8]  }
0x39: {  	_ = 	snop;
	(pc) =	sbr.ind lr, $3  }
0x3a: {  	_ = 	snop  }
0x3b: {  	_ = 	snop  }
0x3c: {  	p2 =	seq.s32 s10, $0x1;
	s10 =	sld [smem:$0x3FB7]  }
0x3d: {  	_ =	shalt  }
0x3e: {  	_ =	shalt  }
0x3f: {  	_ =	shalt  }
0x40: {  	_ =	shalt  }
0x41: {  	_ =	shalt  }
0x42: {  	_ =	shalt  }
0x43: {  	_ =	shalt  }
0x44: {  	_ =	shalt  }
0x45: {  	_ =	shalt  }
0x46: {  	_ =	shalt  }
0x47: {  	_ =	shalt  }
0x48: {  	_ =	shalt  }
0x49: {  	_ =	shalt  }
0x4a: {  	_ =	shalt  }
0x4b: {  	_ =	shalt  }
0x4c: {  	_ =	shalt  }
0x4d: {  	_ =	shalt  }
0x4e: {  	_ =	shalt  }
0x4f: {  	_ =	shalt  }
0x50: {  	_ =	shalt  }
0x51: {  	_ =	shalt  }
0x52: {  	_ =	shalt  }
0x53: {  	_ =	shalt  }
0x54: {  	_ =	shalt  }
0x55: {  	_ =	shalt  }
0x56: {  	_ =	shalt  }
0x57: {  	_ =	shalt  }
0x58: {  	_ =	shalt  }
0x59: {  	_ =	shalt  }
0x5a: {  	_ =	shalt  }
0x5b: {  	_ =	shalt  }
0x5c: {  	_ =	shalt  }
0x5d: {  	_ =	shalt  }
0x5e: {  	_ =	shalt  }
0x5f: {  	_ =	shalt  }
0x60: {  	_ =	shalt  }
0x61: {  	_ =	shalt  }
0x62: {  	_ =	shalt  }
0x63: {  	_ =	shalt  }
0x64: {  	_ =	shalt  }
0x65: {  	_ =	shalt  }
0x66: {  	_ =	shalt  }
0x67: {  	_ =	shalt  }
0x68: {  	_ =	shalt  }
0x69: {  	_ =	shalt  }
0x6a: {  	_ =	shalt  }
0x6b: {  	_ =	shalt  }
0x6c: {  	_ =	shalt  }
0x6d: {  	_ =	shalt  }
0x6e: {  	_ =	shalt  }
0x6f: {  	_ =	shalt  }
0x70: {  	_ =	shalt  }
0x71: {  	_ =	shalt  }
0x72: {  	_ =	shalt  }
0x73: {  	_ =	shalt  }
0x74: {  	_ =	shalt  }
0x75: {  	_ =	shalt  }
0x76: {  	_ =	shalt  }
0x77: {  	_ =	shalt  }
0x78: {  	_ =	shalt  }
0x79: {  	_ =	shalt  }
0x7a: {  	_ =	shalt  }
0x7b: {  	_ =	shalt  }
0x7c: {  	_ =	shalt  }
0x7d: {  	_ =	shalt  }
0x7e: {  	_ =	shalt  }
0x7f: {  	_ =	shalt  }
0x80: {  	_ =	shalt  }
0x81: {  	_ =	shalt  }
0x82: {  	_ =	shalt  }
0x83: {  	_ =	shalt  }
0x84: {  	_ =	shalt  }
0x85: {  	_ =	shalt  }
0x86: {  	_ =	shalt  }
0x87: {  	_ =	shalt  }
.Lfunc_end0:
.L_simem_size_0:
called_computation_lowered:
.L_overlay_start_0:
0x88: {  	s2 =	sld [smem:$0x3FD9]  }
0x89: {  	s3 =	sld [smem:$0x3FFE];
	_ =	sdelay $0x1  }
0x8a: {  	s1 =	srdreg.scid  }
0x8b: {  	s0 =	sand.u32 $0x1, s1  }
0x8c: {  	s17 =	sshll.u32 s0, $0xA;
	s2 =	sadd.s32 s3, s2  }
0x8d: {  	s2 =	sadd.s32 s2, s17  }
0x8e: {  	[smem:$0x3FC3] =	sst s2  }
0x8f: {  	_ = 	snop  }
0x90: {  	s2 =	sld [smem:$0x3FD0];
	(tm) =	ssettm $0x1  }
0x91: {  	s18 =	sld [smem:$0x3FFB];
	_ =	sdelay $0x3  }
0x92: {  	_ =	strace s18  }
0x93: {  	s3 =	sld [smem:$0x3FFC];
	_ =	sdelay $0x3  }
0x94: {  	_ =	strace s3  }
0x95: {  	s3 =	sld [smem:$0x3FFD];
	_ =	sdelay $0x3  }
0x96: {  	_ =	strace s3  }
0x97: {  	_ =	strace $0x8FFFFFFF  }
0x98: {  	s19 =	sld [smem:$0x3FDB];
	_ =	sdelay $0x1  }
0x99: {  	s4 =	simm.s32 $_scs_section_size  }
0x9a: {  	s5 =	simm.s32 $_size__tile_overlayer_lowered;
	s6 =	simm.s32 $_tile_overlayer_lowered  }
0x9b: {  	s22 =	simm.s32 $0x1BFF;
	s21 =	sshll.u32 s6, $0x1;
	s3 =	sadd.s32 s4, s19  }
0x9c: {  	s7 =	simm.s32 $0x0;
	s20 =	sshll.u32 s5, $0x1;
	s5 =	sadd.s32 s21, s3  }
0x9d: {  	[timem:s7], [sflag:s22] =	dma.local [hbm:s5], s20  }
0x9e: {  	_ =	swait.ge [sflag:s22], s20  }
0x9f: {  	s4 =	ssub.s32 $0x0, s20;
	[sflag:s22] =	ssyncset.done $0x0  }
0xa0: {  	[sflag:s22] =	ssyncadd.s32 s4;
	_ =	sdelay $0x1  }
0xa1: {  	s23 =	simm.s32 $0x1B8B  }
0xa2: {  	_ =	swait.ge [sflag:s23], $0x1  }
0xa3: {  	[sflag:s23] =	ssyncset.done $0x0  }
0xa4: {  	s25 =	simm.s32 $0x1B8E;
	s24 =	sld [smem:$0x3FFE];
	[sflag:s23] =	ssyncadd.s32 $0xFFFFFFFF  }
0xa5: {  	s26 =	simm.s32 $execute0_lowered;
	[smem:$0x3FD2] =	sst s25  }
0xa6: {  	s5 =	sshll.u32 s26, $0x1;
	_ =	strace $0x80000046;
	[dreg:$0x1] =	wrdreg $0xFFFFFFFF  }
0xa7: {  	s28 =	simm.s32 $_size_execute0_lowered;
	s3 =	sadd.s32 s3, s5;
	[dreg:$0x0] =	wrdreg $0x0  }
0xa8: {  	s5 =	sshll.u32 s28, $0x1;
	[dreg:$0x2] =	wrdreg s3  }
0xa9: {  	[dreg:$0x3] =	wrdreg s5  }
0xaa: {  	[dreg:$0x4] =	wrdreg $0xC0  }
0xab: {  	_ =	task [dreg:s7], $0x5FFFF  }
0xac: {  	[dreg:$0x1] =	wrdreg $0xFFFFFFFF  }
0xad: {  	[dreg:$0x0] =	wrdreg $0x60  }
0xae: {  	[dreg:$0x2] =	wrdreg s2  }
0xaf: {  	[dreg:$0x3] =	wrdreg s24  }
0xb0: {  	[dreg:$0x4] =	wrdreg $0xB8000  }
0xb1: {  	[dreg:$0x5] =	wrdreg $0x9  }
0xb2: {  	_ =	task.clear_ibuf [dreg:s7], $0x6FFFF;
	_ =	strace $0x90000046  }
0xb3: {  	s29 =	simm.s32 $0x9;
	_ =	strace $0x80000048  }
0xb4: {  	_ =	swait.ge [sflag:s29], $0x1  }
0xb5: {  	[sflag:s29] =	ssyncadd.s32 $0xFFFFFFFF  }
0xb6: {  	_ =	strace $0x90000048  }
0xb7: {  	_ =	sfence  }
0xb8: {  	s30 =	sld [smem:$0x0];
	_ =	sdelay $0x2  }
0xb9: {  	s31 =	sshll.u32 s1, $0xD;
	s1 =	sshrl.u32 s1, $0x2  }
0xba: {  	s3 =	sand.u32 $0x4000, s31;
	s1 =	sadd.s32 s1, s30  }
0xbb: {  	s0 =	sor.u32 s3, s0;
	s1 =	sshll.u32 s1, $0x11  }
0xbc: {  	s0 =	sor.u32 s1, s0  }
0xbd: {  	s0 =	sadd.s32 $0x8F2B, s0  }
0xbe: {  	[sflag:s0] =	ssyncadd.remote.s32 $0x1  }
0xbf: {  	_ =	sfence.sel $0xFFFF  }
0xc0: {  	[dreg:$0x0] =	wrdreg $0xFFFFFFFF;
	(pc) =	sbr.abs _section_cstart, $3  }
0xc1: {  	[dreg:$0x1] =	wrdreg $0xFFFFFFFF  }
0xc2: {  	_ =	task.clear_ibuf [dreg:s7], $0x2FFFF;
	_ =	strace $0x9FFFFFFF  }
0xc3: {  	(tm) =	ssettm $0x7FFFFFFF  }
tec
execute0_lowered:
.L_overlay_start_1:
0x0: {  	(tag) =	ssettag $0x1  }
0x1: {  	s0 =	rddreg [dreg:$0x0]  }
0x2: {  	s1 =	rddreg [dreg:$0x1]  }
0x3: {  	s2 =	srdreg.scid;
	s3 =	rddreg [dreg:$0x2]  }
0x4: {  	s4 =	stileid.u32;
	s5 =	simm.s32 $0x0;
	s30 =	simm.s32 $0x1000  }
0x5: {  	s2 =	sand.u32 $0x1, s2;
	s7 =	smul.u32 $0x13C00, s4;
	[smem:$0x7FF] =	sst s5  }
0x6: {  	s20 =	sadd.s32 $0x1200, s1;
	s26 =	sadd.s32 $0x10200, s1;
	s8 =	smul.u32 $0x4F000, s4  }
0x7: {  	s9 =	sshll.u32 s4, $0x1;
	s6 =	smul.u32 $0x13C000, s2;
	_ =	strace $0x80000047  }
0x8: {  	s15 =	ssub.s32 $0x2, s2;
	s2 =	sor.u32 s2, s9;
	s8 =	sshrl.u32 s8, $0x2  }
0x9: {  	s10 =	sshrl.u32 s15, $0x1;
	s7 =	sadd.s32 s7, s6;
	s6 =	sadd.s32 s8, s3  }
0xa: {  	s29 =	smul.u32 $0x3C00, s2;
	s17 =	sadd.s32 $0x3800, s6;
	[dreg:$0x5] =	wrdreg s6  }
0xb: {  	s16 =	ssub.s32 s15, s10;
	s18 =	sadd.s32 $0x7000, s6;
	[dreg:$0x6] =	wrdreg s17  }
0xc: {  	s8 =	simm.s32 $0x4800;
	s19 =	sadd.s32 $0xA800, s6;
	[dreg:$0x7] =	wrdreg s18  }
0xd: {  	s7 =	sshrl.u32 s7, $0x3;
	s21 =	sadd.s32 $0xE000, s6;
	[dreg:$0x8] =	wrdreg s19  }
0xe: {  	s22 =	sadd.s32 $0x11800, s6;
	s23 =	sshrl.u32 s29, $0x3;
	[dreg:$0x9] =	wrdreg s21  }
0xf: {  	s31 =	smax.u32 s16, $0x1;
	s1 =	sadd.s32 s7, s1;
	[dreg:$0xa] =	wrdreg s22  }
0x10: {  	s24 =	sadd.s32 s20, s23;
	s25 =	sadd.s32 s26, s23;
	[dreg:$0x10] =	wrdreg s31  }
0x11: {  	s2 =	sadd.s32 $0x80, s23;
	s7 =	simm.s32 $0x8000;
	[dreg:$0xb] =	wrdreg s24  }
0x12: {  	s21 =	simm.s32 $0x6;
	[dreg:$0xc] =	wrdreg s25;
	s28 =	sadd.s32 s20, s2  }
0x13: {  	s22 =	simm.s32 $0x2;
	s2 =	sadd.s32 s26, s2;
	[dreg:$0xd] =	wrdreg s28  }
0x14: {  	s23 =	simm.s32 $0x3;
	s1 =	sadd.s32 $0x1F200, s1;
	[dreg:$0xe] =	wrdreg s2  }
0x15: {  	v0 =	vimm.f32 $0.0e+00;
	s25 =	simm.s32 $0x70;
	[dreg:$0xf] =	wrdreg s1;
	s1 =	simm.s32 $0x1  }
.LBB2_1:
0x16: {  	s2 =	simm.s32 $0x0;
	s9 =	simm.s32 $0x200  }
.LBB2_2:
0x17: {  	p0 =	sne.s32 s9, $0xDE00;
	[tilespmem:s2+$0x8070] =	vst v0  }
0x18: {  	[tilespmem:s2+$0x8000] =	vst v0  }
0x19: {  	[tilespmem:s2+$0x8010] =	vst v0  }
.Ltmp0:
0x1a: {  	[tilespmem:s2+$0x8020] =	vst v0;
	(pc) =	sbr.rel @p0 .LBB2_2-.Ltmp0, $4  }
0x1b: {  	[tilespmem:s2+$0x8030] =	vst v0  }
0x1c: {  	[tilespmem:s2+$0x8040] =	vst v0  }
0x1d: {  	[tilespmem:s2+$0x8050] =	vst v0  }
0x1e: {  	[tilespmem:s2+$0x8060] =	vst v0;
	s2 =	sshra.s32 s9, $0x2;
	s9 =	sadd.s32 $0x200, s9  }
0x1f: {  	[tilespmem:s2+$0x8070] =	vst v0  }
0x20: {  	[tilespmem:s2+$0x8000] =	vst v0  }
0x21: {  	[tilespmem:s2+$0x8010] =	vst v0  }
0x22: {  	[tilespmem:s2+$0x8020] =	vst v0  }
0x23: {  	[tilespmem:s2+$0x8030] =	vst v0  }
0x24: {  	[tilespmem:s2+$0x8040] =	vst v0  }
0x25: {  	[tilespmem:s2+$0x8050] =	vst v0  }
0x26: {  	[dreg:$0x4] =	wrdreg s5;
	[tilespmem:s2+$0x8060] =	vst v0  }
0x27: {  	[spmem:s6] =	stream.linear.scatter [tilespmem:s7], [sflag:$0x4], $0x3800, $0x38;
	[tilespmem:$0x1F400] =	vst v63  }
0x28: {  	s5 =	rddreg [dreg:$0x6]  }
0x29: {  	[spmem:s5] =	stream.linear.scatter [tilespmem:s7], [sflag:$0x4], $0x3800, $0x38;
	[tilespmem:$0x1F400] =	vst v63  }
0x2a: {  	s6 =	rddreg [dreg:$0x7]  }
0x2b: {  	[spmem:s6] =	stream.linear.scatter [tilespmem:s7], [sflag:$0x4], $0x3800, $0x38;
	[tilespmem:$0x1F400] =	vst v63  }
0x2c: {  	s9 =	rddreg [dreg:$0x8]  }
0x2d: {  	[spmem:s9] =	stream.linear.scatter [tilespmem:s7], [sflag:$0x4], $0x3800, $0x38;
	[tilespmem:$0x1F400] =	vst v63  }
0x2e: {  	s10 =	rddreg [dreg:$0x9]  }
0x2f: {  	[spmem:s10] =	stream.linear.scatter [tilespmem:s7], [sflag:$0x4], $0x3800, $0x38;
	[tilespmem:$0x1F400] =	vst v63  }
0x30: {  	s11 =	rddreg [dreg:$0xa]  }
0x31: {  	[spmem:s11] =	stream.linear.scatter [tilespmem:s7], [sflag:$0x4], $0x2400, $0x38;
	[tilespmem:$0x1F400] =	vst v63  }
0x32: {  	s2 =	simm.s32 $0x0;
	s4 =	rddreg [dreg:$0xb]  }
0x33: {  	[tilespmem:s2], [sflag:$0x6] =	stream.linear.gather [hbm4b:s4+s2], $0x300, $0x38;
	[tilespmem:$0x1F400] =	vst v63  }
0x34: {  	_ =	swait.ge [sflag:s21], $0x300  }
0x35: {  	[sflag:s21] =	ssyncset.done $0x0  }
0x36: {  	s13 =	simm.s32 $0x800;
	s12 =	rddreg [dreg:$0xc];
	[sflag:s21] =	ssyncadd.s32 $0xFFFFFD00  }
0x37: {  	[tilespmem:s13], [sflag:$0x6] =	stream.linear.gather [hbm4b:s12+s2], $0x300, $0x38;
	[tilespmem:$0x1F400] =	vst v63  }
0x38: {  	_ =	swait.ge [sflag:s21], $0x300  }
0x39: {  	[sflag:s21] =	ssyncset.done $0x0  }
0x3a: {  	s15 =	simm.s32 $0x400;
	s14 =	rddreg [dreg:$0xd];
	[sflag:s21] =	ssyncadd.s32 $0xFFFFFD00  }
0x3b: {  	[tilespmem:s15], [sflag:$0x5] =	stream.linear.gather [hbm4b:s14+s2], $0x300, $0x38;
	[tilespmem:$0x1F400] =	vst v63  }
0x3c: {  	s17 =	simm.s32 $0xC00;
	s16 =	rddreg [dreg:$0xe]  }
0x3d: {  	[tilespmem:s17], [sflag:$0x5] =	stream.linear.gather [hbm4b:s16+s2], $0x300, $0x38;
	[tilespmem:$0x1F400] =	vst v63  }
0x3e: {  	_ = 	snop  }
0x3f: {  	[tilespmem:s30], [sflag:$0x1] =	stream.indirect.gather [hbm4b:s0+s25], $0x80, s2, s25, $0xb8;
	[tilespmem:$0x1F400] =	vst v63  }
0x40: {  	s18 =	simm.s32 $0x80;
	s19 =	simm.s32 $0x4;
	s9 =	smul.u32 $0x3, s2  }
0x41: {  	[tilespmem:s8], [sflag:$0x2] =	stream.indirect.gather [hbm4b:s0+s25], $0x80, s18, s25, $0xb8;
	[tilespmem:$0x1F400] =	vst v63  }
0x42: {  	s10 =	sand.u32 $0xFF, s9;
	_ =	swait.ge [sflag:s19], $0x3800  }
0x43: {  	s10 =	smul.u32 $0xAB, s10;
	[sflag:s19] =	ssyncset.done $0x0  }
0x44: {  	[sflag:s19] =	ssyncadd.s32 $0xFFFFC800  }
0x45: {  	s10 =	sshrl.u32 s10, $0xA;
	_ =	swait.ge [sflag:s19], $0x3800  }
0x46: {  	s10 =	smul.u32 $0x6, s10;
	[sflag:s19] =	ssyncset.done $0x0  }
0x47: {  	s24 =	simm.s32 $0x100;
	[sflag:s19] =	ssyncadd.s32 $0xFFFFC800  }
0x48: {  	s11 =	sadd.s32 $0x3, s9;
	s10 =	ssub.s32 s9, s10;
	_ =	swait.ge [sflag:s19], $0x3800  }
0x49: {  	s4 =	sadd.s32 $0x5, s9;
	s10 =	sand.u32 $0xFF, s10;
	[sflag:s19] =	ssyncset.done $0x0  }
0x4a: {  	p0 =	seq.s32 s10, $0x3;
	s12 =	sand.u32 $0xFF, s11;
	[sflag:s19] =	ssyncadd.s32 $0xFFFFC800  }
0x4b: {  	s13 =	sadd.s32 $0x1, s9;
	p1 =	sne.s32 @!p0 s10, $0x0;
	_ =	swait.ge [sflag:s19], $0x3800  }
0x4c: {  	s12 =	smul.u32 $0xAB, s12;
	p2 =	por p1, p0;
	[sflag:s19] =	ssyncset.done $0x0  }
0x4d: {  	s10 =	sshll.u32 s10, $0x7;
	p3 =	por @!p2 $0x1, $0x1;
	[sflag:s19] =	ssyncadd.s32 $0xFFFFC800  }
0x4e: {  	p4 =	por @!p0 p3, p1;
	s14 =	sadd.s32 $0x4, s9;
	_ =	swait.ge [sflag:s19], $0x3800  }
0x4f: {  	s15 =	sand.u32 $0xFF, s13;
	p4 =	por p4, p0;
	[sflag:s19] =	ssyncset.done $0x0  }
0x50: {  	s15 =	smul.u32 $0xAB, s15;
	p4 =	por @!p4 $0x0, $0x0;
	[sflag:s19] =	ssyncadd.s32 $0xFFFFC800  }
0x51: {  	s16 =	sand.u32 $0xFF, s14;
	s17 =	sshrl.u32 s12, $0xA;
	_ =	swait.ge [sflag:s19], $0x2400  }
0x52: {  	s12 =	sand.u32 $0x400, s12;
	s17 =	smul.u32 $0x6, s17;
	[sflag:s19] =	ssyncset.done $0x0  }
0x53: {  	p2 =	por @!p2 p4, p3;
	s28 =	smul.u32 $0xAB, s16;
	[sflag:s19] =	ssyncadd.s32 $0xFFFFDC00  }
0x54: {  	p1 =	por @!p0 p2, p1;
	s18 =	simm.s32 @p0 $0x5;
	[bflag:$0x0] =	sbarrier.arrive $0xFFFF  }
0x55: {  	[tilespmem:s7], [sflag:$0x3] =	stream.indirect.gather [hbm4b:s0+s25], $0x80, s24, s25, $0xb8;
	[tilespmem:$0x1F400] =	vst v63  }
0x56: {  	s5 =	sshrl.u32 s15, $0xA;
	p1 =	por p1, p0;
	_ =	swait.ge @p0 [sflag:s18], $0x300  }
0x57: {  	s15 =	sand.u32 $0x400, s15;
	s24 =	sand.u32 @!p1 $0x3C00, s2;
	[sflag:s18] =	ssyncset.done @p0 $0x0  }
0x58: {  	s11 =	ssub.s32 s11, s17;
	s24 =	sadd.s32 @!p1 $0x400, s24;
	[sflag:s18] =	ssyncadd.s32 @p0 $0xFFFFFD00  }
0x59: {  	s19 =	sadd.s32 $0x2, s9;
	s16 =	sadd.s32 @!p1 s29, s24;
	_ =	swait.ge @p0 [sflag:s18], $0x300  }
0x5a: {  	s24 =	sand.u32 @!p1 $0x400, s24;
	s16 =	sshrl.u32 @!p1 s16, $0x3;
	[sflag:s18] =	ssyncset.done @p0 $0x0  }
0x5b: {  	s31 =	sadd.s32 @!p1 s20, s16;
	[sflag:s18] =	ssyncadd.s32 @p0 $0xFFFFFD00;
	s18 =	simm.s32 @!p1 $0x0  }
0x5c: {  	[tilespmem:s24], [sflag:$0x5] =	stream.linear.gather @!p1 [hbm4b:s31+s18], $0x300, $0x38;
	[tilespmem:$0x1F400] =	vst v63  }
0x5d: {  	s17 =	sand.u32 $0xFF, s11;
	s2 =	sand.u32 $0x400, s2;
	s31 =	sand.u32 $0xFF, s19  }
0x5e: {  	s16 =	sadd.s32 @!p1 s26, s16;
	s24 =	sor.u32 @!p1 $0x800, s24;
	s6 =	smul.u32 $0xAB, s31  }
0x5f: {  	[tilespmem:s24], [sflag:$0x5] =	stream.linear.gather @!p1 [hbm4b:s16+s18], $0x300, $0x38;
	[tilespmem:$0x1F400] =	vst v63  }
0x60: {  	s7 =	sshrl.u32 s28, $0xA;
	s2 =	sadd.s32 s10, s2;
	s16 =	smul.u32 $0x6, s5  }
0x61: {  	s10 =	simm.s32 $0x1;
	s2 =	sadd.s32 $0x800, s2;
	s24 =	smul.u32 $0x6, s7  }
0x62: {  	s7 =	sand.u32 $0xFF, s4;
	s31 =	sshrl.u32 s6, $0xA;
	s6 =	sand.u32 $0x400, s6  }
0x63: {  	_ =	swait.ge [sflag:s1], $0x3800;
	s31 =	smul.u32 $0x6, s31;
	s13 =	ssub.s32 s13, s16  }
0x64: {  	s16 =	ssub.s32 s14, s24;
	s14 =	sshll.u32 s17, $0x7;
	[sflag:s1] =	ssyncset.done $0x0  }
0x65: {  	s11 =	sand.u32 $0xFF, s16;
	s16 =	smul.u32 $0xAB, s7;
	[sflag:s1] =	ssyncadd.s32 $0xFFFFC800  }
0x66: {  	s13 =	sand.u32 $0xEF, s13;
	s12 =	sor.u32 s14, s12;
	s24 =	ssub.s32 s19, s31  }
0x67: {  	[spmem:s3] =	stream.indirect.scatter.add.f32 [tilespmem:s30], [sflag:$0x6], $0x80, s2, s25, $0xb8;
	[tilespmem:$0x1F400] =	vst v63  }
0x68: {  	s11 =	sshll.u32 s11, $0x7;
	s2 =	simm.s32 $0x2;
	s13 =	sshll.u32 s13, $0x7  }
0x69: {  	s31 =	smul.u32 $0x3, s10;
	s5 =	sand.u32 $0xEF, s24;
	s18 =	sshrl.u32 s16, $0xA  }
0x6a: {  	_ =	swait.ge [sflag:s21], $0x3800;
	s16 =	sand.u32 $0x400, s16;
	s19 =	sor.u32 s13, s15  }
0x6b: {  	s9 =	sshll.u32 s5, $0x7;
	s14 =	smul.u32 $0x6, s18;
	[sflag:s21] =	ssyncset.done $0x0  }
0x6c: {  	s15 =	sadd.s32 $0x3, s31;
	s9 =	sor.u32 s9, s6;
	[sflag:s21] =	ssyncadd.s32 $0xFFFFC800  }
0x6d: {  	[tilespmem:s30], [sflag:$0x1] =	stream.indirect.gather [hbm4b:s0+s25], $0x80, s12, s25, $0xb8;
	[tilespmem:$0x1F400] =	vst v63  }
0x6e: {  	s24 =	ssub.s32 s4, s14;
	s12 =	sor.u32 $0x800, s19;
	_ =	swait.ge [sflag:s22], $0x3800  }
0x6f: {  	s30 =	sand.u32 $0xFF, s31;
	s13 =	sand.u32 $0xFF, s24;
	[sflag:s22] =	ssyncset.done $0x0  }
0x70: {  	s24 =	simm.s32 $0x200;
	s13 =	sshll.u32 s13, $0x7;
	[sflag:s22] =	ssyncadd.s32 $0xFFFFC800  }
0x71: {  	[spmem:s3] =	stream.indirect.scatter.add.f32 [tilespmem:s8], [sflag:$0x6], $0x80, s12, s25, $0xb8;
	[tilespmem:$0x1F400] =	vst v63  }
0x72: {  	s14 =	smul.u32 $0xAB, s30;
	s13 =	sor.u32 s13, s16;
	s12 =	sand.u32 $0xFF, s15  }
.LBB2_4:
0x73: {  	s12 =	smul.u32 $0xAB, s12;
	s18 =	sadd.s32 $0x1, s31  }
0x74: {  	s7 =	sadd.s32 $0x4, s31;
	s16 =	smov.u32 s2;
	s14 =	sshrl.u32 s14, $0xA  }
0x75: {  	s17 =	sand.u32 $0xFF, s18;
	s4 =	sand.u32 $0xFF, s7;
	s30 =	smul.u32 $0x6, s14  }
0x76: {  	s19 =	sadd.s32 $0x2, s31;
	s6 =	sand.u32 $0x400, s24;
	s5 =	sshrl.u32 s12, $0xA  }
0x77: {  	s14 =	smul.u32 $0xAB, s17;
	s17 =	sand.u32 $0x400, s28;
	s28 =	ssub.s32 s31, s30  }
0x78: {  	s5 =	smul.u32 $0x6, s5;
	s11 =	sor.u32 s11, s17;
	s17 =	sand.u32 $0xFF, s28  }
0x79: {  	s28 =	sshrl.u32 s14, $0xA;
	_ =	swait.ge [sflag:s21], $0x3800;
	p0 =	seq.s32 s17, $0x3  }
0x7a: {  	s30 =	sshll.u32 s17, $0x7;
	s28 =	smul.u32 $0x6, s28;
	s5 =	ssub.s32 s15, s5  }
0x7b: {  	p1 =	sne.s32 @!p0 s17, $0x0;
	s17 =	sadd.s32 s30, s6;
	s5 =	sand.u32 $0xFF, s5  }
0x7c: {  	s6 =	sor.u32 $0x800, s9;
	p2 =	por p1, p0;
	s18 =	ssub.s32 s18, s28  }
0x7d: {  	s15 =	sshll.u32 s5, $0x7;
	p3 =	seq.s32 @!p2 s10, $0x0;
	[sflag:s21] =	ssyncset.done $0x0  }
0x7e: {  	s28 =	smul.u32 $0xAB, s4;
	p4 =	por @!p0 p3, p1;
	[sflag:s21] =	ssyncadd.s32 $0xFFFFC800  }
0x7f: {  	[tilespmem:s8], [sflag:$0x2] =	stream.indirect.gather [hbm4b:s0+s25], $0x80, s11, s25, $0xb8;
	[tilespmem:$0x1F400] =	vst v63  }
0x80: {  	s4 =	sshrl.u32 s28, $0xA;
	p4 =	por p4, p0;
	_ =	swait.ge [sflag:s23], $0x3800  }
0x81: {  	s4 =	smul.u32 $0x6, s4;
	p4 =	seq.s32 @!p4 s10, $0x1C;
	[sflag:s23] =	ssyncset.done $0x0  }
0x82: {  	s5 =	sand.u32 $0xFF, s19;
	p2 =	por @!p2 p4, p3;
	[sflag:s23] =	ssyncadd.s32 $0xFFFFC800  }
0x83: {  	s5 =	smul.u32 $0xAB, s5;
	s4 =	ssub.s32 s7, s4;
	p1 =	por @!p0 p2, p1  }
0x84: {  	s9 =	simm.s32 $0x8000;
	s4 =	sand.u32 $0xFF, s4;
	p1 =	por p1, p0  }
0x85: {  	s11 =	sshll.u32 s4, $0x7;
	s4 =	sshrl.u32 s5, $0xA;
	s7 =	sand.u32 @!p1 $0x3C00, s24  }
0x86: {  	s10 =	simm.s32 @p0 $0x5;
	s4 =	smul.u32 $0x6, s4;
	s7 =	sadd.s32 @!p1 $0x400, s7  }
0x87: {  	[spmem:s3] =	stream.indirect.scatter.add.f32 [tilespmem:s9], [sflag:$0x6], $0x80, s6, s25, $0xb8;
	[tilespmem:$0x1F400] =	vst v63  }
0x88: {  	s6 =	sadd.s32 @!p1 s29, s7;
	s7 =	sand.u32 @!p1 $0x400, s7;
	_ =	swait.ge [sflag:s21], $0x3800  }
0x89: {  	s6 =	sshrl.u32 @!p1 s6, $0x3;
	s30 =	sor.u32 @!p1 $0x800, s7;
	[sflag:s21] =	ssyncset.done $0x0  }
0x8a: {  	s8 =	sadd.s32 @!p1 s20, s6;
	s6 =	sadd.s32 @!p1 s26, s6;
	[sflag:s21] =	ssyncadd.s32 $0xFFFFC800  }
0x8b: {  	[tilespmem:s9], [sflag:$0x3] =	stream.indirect.gather [hbm4b:s0+s25], $0x80, s13, s25, $0xb8;
	[tilespmem:$0x1F400] =	vst v63  }
0x8c: {  	s4 =	ssub.s32 s19, s4;
	s13 =	sadd.s32 $0x5, s31;
	_ =	swait.ge @p0 [sflag:s10], $0x300  }
0x8d: {  	s19 =	simm.s32 @!p1 $0x0;
	s4 =	sand.u32 $0xEF, s4;
	[sflag:s10] =	ssyncset.done @p0 $0x0  }
0x8e: {  	s5 =	sand.u32 $0x400, s5;
	s4 =	sshll.u32 s4, $0x7;
	[sflag:s10] =	ssyncadd.s32 @p0 $0xFFFFFD00  }
0x8f: {  	s9 =	sor.u32 s4, s5;
	s4 =	sand.u32 $0xFF, s13;
	_ =	swait.ge @p0 [sflag:s10], $0x300  }
0x90: {  	s2 =	sadd.s32 $0x1, s2;
	s4 =	smul.u32 $0xAB, s4;
	[sflag:s10] =	ssyncset.done @p0 $0x0  }
0x91: {  	p2 =	sne.s32 s2, $0x1D;
	[sflag:s10] =	ssyncadd.s32 @p0 $0xFFFFFD00;
	s10 =	smov.u32 s16  }
0x92: {  	[tilespmem:s7], [sflag:$0x5] =	stream.linear.gather @!p1 [hbm4b:s8+s19], $0x300, $0x38;
	[tilespmem:$0x1F400] =	vst v63  }
0x93: {  	s5 =	sand.u32 $0xEF, s18;
	s7 =	sshrl.u32 s4, $0xA  }
0x94: {  	[tilespmem:s30], [sflag:$0x5] =	stream.linear.gather @!p1 [hbm4b:s6+s19], $0x300, $0x38;
	[tilespmem:$0x1F400] =	vst v63  }
0x95: {  	s5 =	sshll.u32 s5, $0x7;
	s30 =	simm.s32 $0x1000  }
0x96: {  	s4 =	sand.u32 $0x400, s4;
	s6 =	smul.u32 $0x6, s7;
	_ =	swait.ge [sflag:s1], $0x3800  }
0x97: {  	s8 =	sand.u32 $0x400, s14;
	s31 =	smul.u32 $0x3, s10;
	[sflag:s1] =	ssyncset.done $0x0  }
0x98: {  	s5 =	sor.u32 s5, s8;
	s7 =	sadd.s32 $0x800, s17;
	[sflag:s1] =	ssyncadd.s32 $0xFFFFC800  }
0x99: {  	[spmem:s3] =	stream.indirect.scatter.add.f32 [tilespmem:s30], [sflag:$0x6], $0x80, s7, s25, $0xb8;
	[tilespmem:$0x1F400] =	vst v63  }
0x9a: {  	s8 =	simm.s32 $0x4800;
	s6 =	ssub.s32 s13, s6;
	_ =	swait.ge [sflag:s21], $0x3800  }
0x9b: {  	s5 =	sor.u32 $0x800, s5;
	s7 =	sand.u32 $0x400, s12;
	[sflag:s21] =	ssyncset.done $0x0  }
0x9c: {  	s6 =	sand.u32 $0xFF, s6;
	s7 =	sor.u32 s15, s7;
	[sflag:s21] =	ssyncadd.s32 $0xFFFFC800  }
0x9d: {  	[tilespmem:s30], [sflag:$0x1] =	stream.indirect.gather [hbm4b:s0+s25], $0x80, s7, s25, $0xb8;
	[tilespmem:$0x1F400] =	vst v63  }
.Ltmp1:
0x9e: {  	s6 =	sshll.u32 s6, $0x7;
	_ =	swait.ge [sflag:s22], $0x3800;
	(pc) =	sbr.rel @p2 .LBB2_4-.Ltmp1, $4  }
0x9f: {  	s24 =	sadd.s32 $0x200, s24;
	s13 =	sor.u32 s6, s4  }
0xa0: {  	s4 =	sand.u32 $0xFF, s31;
	s15 =	sadd.s32 $0x3, s31;
	[sflag:s22] =	ssyncset.done $0x0  }
0xa1: {  	s14 =	smul.u32 $0xAB, s4;
	s12 =	sand.u32 $0xFF, s15;
	[sflag:s22] =	ssyncadd.s32 $0xFFFFC800  }
0xa2: {  	[spmem:s3] =	stream.indirect.scatter.add.f32 [tilespmem:s8], [sflag:$0x6], $0x80, s5, s25, $0xb8;
	[tilespmem:$0x1F400] =	vst v63  }
0xa3: {  	s2 =	sshrl.u32 s14, $0xA  }
0xa4: {  	_ =	swait.ge [sflag:s21], $0x3800;
	s2 =	smul.u32 $0x6, s2  }
0xa5: {  	s4 =	sand.u32 $0x400, s28;
	[sflag:s21] =	ssyncset.done $0x0  }
0xa6: {  	s4 =	sor.u32 s11, s4;
	[sflag:s21] =	ssyncadd.s32 $0xFFFFC800;
	s2 =	ssub.s32 s31, s2  }
0xa7: {  	[tilespmem:s8], [sflag:$0x2] =	stream.indirect.gather [hbm4b:s0+s25], $0x80, s4, s25, $0xb8;
	[tilespmem:$0x1F400] =	vst v63  }
0xa8: {  	s2 =	sand.u32 $0xFF, s2  }
0xa9: {  	_ =	swait.ge [sflag:s23], $0x3800;
	p0 =	seq.s32 s2, $0x3  }
0xaa: {  	s18 =	sor.u32 $0x800, s9;
	[sflag:s23] =	ssyncset.done $0x0;
	p1 =	sne.s32 @!p0 s2, $0x0  }
0xab: {  	s11 =	simm.s32 $0x8000;
	[sflag:s23] =	ssyncadd.s32 $0xFFFFC800;
	p2 =	por p1, p0  }
0xac: {  	[spmem:s3] =	stream.indirect.scatter.add.f32 [tilespmem:s11], [sflag:$0x6], $0x80, s18, s25, $0xb8;
	[tilespmem:$0x1F400] =	vst v63  }
0xad: {  	p3 =	seq.s32 @!p2 s10, $0x0  }
0xae: {  	s19 =	smul.u32 $0xAB, s12;
	_ =	swait.ge [sflag:s21], $0x3800;
	p4 =	por @!p0 p3, p1  }
0xaf: {  	s28 =	sadd.s32 $0x1, s31;
	[sflag:s21] =	ssyncset.done $0x0;
	p4 =	por p4, p0  }
0xb0: {  	s14 =	sadd.s32 $0x4, s31;
	[sflag:s21] =	ssyncadd.s32 $0xFFFFC800;
	p4 =	seq.s32 @!p4 s10, $0x1C  }
0xb1: {  	[tilespmem:s11], [sflag:$0x3] =	stream.indirect.gather [hbm4b:s0+s25], $0x80, s13, s25, $0xb8;
	[tilespmem:$0x1F400] =	vst v63  }
0xb2: {  	s12 =	sand.u32 $0x400, s24;
	s16 =	sand.u32 $0xFF, s14;
	p2 =	por @!p2 p4, p3  }
0xb3: {  	s9 =	sshrl.u32 s19, $0xA;
	s4 =	simm.s32 @p0 $0x5;
	p1 =	por @!p0 p2, p1  }
0xb4: {  	s8 =	sand.u32 $0xFF, s28;
	_ =	swait.ge @p0 [sflag:s4], $0x300;
	p1 =	por p1, p0  }
0xb5: {  	s2 =	sshll.u32 s2, $0x7;
	[sflag:s4] =	ssyncset.done @p0 $0x0;
	s5 =	sand.u32 @!p1 $0x3C00, s24  }
0xb6: {  	s2 =	sadd.s32 s2, s12;
	[sflag:s4] =	ssyncadd.s32 @p0 $0xFFFFFD00;
	s5 =	sadd.s32 @!p1 $0x400, s5  }
0xb7: {  	s18 =	sadd.s32 $0x2, s31;
	_ =	swait.ge @p0 [sflag:s4], $0x300;
	s6 =	sadd.s32 @!p1 s29, s5  }
0xb8: {  	[sflag:s4] =	ssyncset.done @p0 $0x0;
	s5 =	sand.u32 @!p1 $0x400, s5;
	s6 =	sshrl.u32 @!p1 s6, $0x3  }
0xb9: {  	[sflag:s4] =	ssyncadd.s32 @p0 $0xFFFFFD00;
	s4 =	simm.s32 @!p1 $0x0;
	s7 =	sadd.s32 @!p1 s20, s6  }
0xba: {  	[tilespmem:s5], [sflag:$0x5] =	stream.linear.gather @!p1 [hbm4b:s7+s4], $0x300, $0x38;
	[tilespmem:$0x1F400] =	vst v63  }
0xbb: {  	s6 =	sadd.s32 @!p1 s26, s6;
	s5 =	sor.u32 @!p1 $0x800, s5;
	s7 =	smul.u32 $0x6, s9  }
0xbc: {  	[tilespmem:s5], [sflag:$0x5] =	stream.linear.gather @!p1 [hbm4b:s6+s4], $0x300, $0x38;
	[tilespmem:$0x1F400] =	vst v63  }
0xbd: {  	s2 =	sadd.s32 $0x800, s2;
	s10 =	simm.s32 $0x4800;
	s6 =	smul.u32 $0xAB, s8  }
0xbe: {  	s7 =	ssub.s32 s15, s7;
	s4 =	sand.u32 $0x400, s19;
	s19 =	sand.u32 $0xFF, s18  }
0xbf: {  	_ =	swait.ge [sflag:s1], $0x3800;
	s7 =	sand.u32 $0xFF, s7;
	s13 =	sshrl.u32 s6, $0xA  }
0xc0: {  	[sflag:s1] =	ssyncset.done $0x0;
	s7 =	sshll.u32 s7, $0x7;
	s6 =	sand.u32 $0x400, s6  }
0xc1: {  	s8 =	smul.u32 $0x6, s13;
	[sflag:s1] =	ssyncadd.s32 $0xFFFFC800;
	s4 =	sor.u32 s7, s4  }
0xc2: {  	[spmem:s3] =	stream.indirect.scatter.add.f32 [tilespmem:s30], [sflag:$0x6], $0x80, s2, s25, $0xb8;
	[tilespmem:$0x1F400] =	vst v63  }
0xc3: {  	s5 =	ssub.s32 s28, s8;
	s8 =	smul.u32 $0xAB, s16;
	_ =	swait.ge [sflag:s21], $0x3800  }
0xc4: {  	s28 =	sadd.s32 $0x5, s31;
	[sflag:s21] =	ssyncset.done $0x0;
	s5 =	sand.u32 $0xEF, s5  }
0xc5: {  	s31 =	sand.u32 $0xFF, s28;
	s17 =	sshrl.u32 s8, $0xA;
	[sflag:s21] =	ssyncadd.s32 $0xFFFFC800  }
0xc6: {  	[tilespmem:s30], [sflag:$0x1] =	stream.indirect.gather [hbm4b:s0+s25], $0x80, s4, s25, $0xb8;
	[tilespmem:$0x1F400] =	vst v63  }
0xc7: {  	s5 =	sshll.u32 s5, $0x7;
	s8 =	sand.u32 $0x400, s8;
	s7 =	smul.u32 $0x6, s17  }
0xc8: {  	s5 =	sor.u32 s5, s6;
	s6 =	smul.u32 $0xAB, s19;
	_ =	swait.ge [sflag:s22], $0x3800  }
0xc9: {  	s5 =	sor.u32 $0x800, s5;
	[sflag:s22] =	ssyncset.done $0x0;
	s2 =	ssub.s32 s14, s7  }
0xca: {  	s24 =	sshrl.u32 s6, $0xA;
	s7 =	smul.u32 $0xAB, s31;
	[sflag:s22] =	ssyncadd.s32 $0xFFFFC800  }
0xcb: {  	[spmem:s3] =	stream.indirect.scatter.add.f32 [tilespmem:s10], [sflag:$0x6], $0x80, s5, s25, $0xb8;
	[tilespmem:$0x1F400] =	vst v63  }
0xcc: {  	s9 =	sand.u32 $0x400, s6;
	s2 =	sand.u32 $0xFF, s2;
	s5 =	smul.u32 $0x6, s24  }
0xcd: {  	s2 =	sshll.u32 s2, $0x7;
	s10 =	sshrl.u32 s7, $0xA;
	_ =	swait.ge [sflag:s21], $0x3800  }
0xce: {  	s2 =	sor.u32 s2, s8;
	s4 =	ssub.s32 s18, s5;
	[sflag:s21] =	ssyncset.done $0x0  }
0xcf: {  	s8 =	simm.s32 $0x4800;
	[sflag:s21] =	ssyncadd.s32 $0xFFFFC800;
	s4 =	sand.u32 $0xEF, s4  }
0xd0: {  	[tilespmem:s8], [sflag:$0x2] =	stream.indirect.gather [hbm4b:s0+s25], $0x80, s2, s25, $0xb8;
	[tilespmem:$0x1F400] =	vst v63  }
0xd1: {  	s6 =	smul.u32 $0x6, s10;
	s2 =	sshll.u32 s4, $0x7;
	_ =	swait.ge [sflag:s23], $0x3800  }
0xd2: {  	s2 =	sor.u32 s2, s9;
	[sflag:s23] =	ssyncset.done $0x0  }
0xd3: {  	s12 =	ssub.s32 s28, s6;
	s2 =	sor.u32 $0x800, s2;
	[sflag:s23] =	ssyncadd.s32 $0xFFFFC800  }
0xd4: {  	[spmem:s3] =	stream.indirect.scatter.add.f32 [tilespmem:s11], [sflag:$0x6], $0x80, s2, s25, $0xb8;
	[tilespmem:$0x1F400] =	vst v63  }
0xd5: {  	s13 =	sand.u32 $0xFF, s12;
	_ =	swait.ge [sflag:s21], $0x3800  }
0xd6: {  	s14 =	sand.u32 $0x400, s7;
	s2 =	sshll.u32 s13, $0x7;
	[sflag:s21] =	ssyncset.done $0x0  }
0xd7: {  	s2 =	sor.u32 s2, s14;
	[sflag:s21] =	ssyncadd.s32 $0xFFFFC800  }
0xd8: {  	[tilespmem:s11], [sflag:$0x3] =	stream.indirect.gather [hbm4b:s0+s25], $0x80, s2, s25, $0xb8;
	[tilespmem:$0x1F400] =	vst v63  }
0xd9: {  	_ =	swait.ge [sflag:s1], $0x3800  }
0xda: {  	[sflag:s1] =	ssyncset.done $0x0  }
0xdb: {  	s15 =	simm.s32 $0x980;
	[sflag:s1] =	ssyncadd.s32 $0xFFFFC800  }
0xdc: {  	[spmem:s3] =	stream.indirect.scatter.add.f32 [tilespmem:s30], [sflag:$0x6], $0x80, s15, s25, $0xb8;
	[tilespmem:$0x1F400] =	vst v63  }
0xdd: {  	_ =	swait.ge [sflag:s21], $0x3800  }
0xde: {  	[sflag:s21] =	ssyncset.done $0x0  }
0xdf: {  	[sflag:s21] =	ssyncadd.s32 $0xFFFFC800  }
0xe0: {  	_ =	swait.ge [sflag:s22], $0x3800  }
0xe1: {  	[sflag:s22] =	ssyncset.done $0x0  }
0xe2: {  	s16 =	simm.s32 $0xA00;
	[sflag:s22] =	ssyncadd.s32 $0xFFFFC800  }
0xe3: {  	[spmem:s3] =	stream.indirect.scatter.add.f32 [tilespmem:s8], [sflag:$0x6], $0x80, s16, s25, $0xb8;
	[tilespmem:$0x1F400] =	vst v63  }
0xe4: {  	_ =	swait.ge [sflag:s21], $0x3800  }
0xe5: {  	[sflag:s21] =	ssyncset.done $0x0  }
0xe6: {  	[sflag:s21] =	ssyncadd.s32 $0xFFFFC800  }
0xe7: {  	_ =	swait.ge [sflag:s23], $0x3800  }
0xe8: {  	[sflag:s23] =	ssyncset.done $0x0  }
0xe9: {  	s17 =	simm.s32 $0xA80;
	[sflag:s23] =	ssyncadd.s32 $0xFFFFC800  }
0xea: {  	[spmem:s3] =	stream.indirect.scatter.add.f32 [tilespmem:s11], [sflag:$0x6], $0x80, s17, s25, $0xb8;
	[tilespmem:$0x1F400] =	vst v63  }
0xeb: {  	_ =	swait.ge [sflag:s21], $0x3800  }
0xec: {  	[sflag:s21] =	ssyncset.done $0x0  }
0xed: {  	[sflag:s21] =	ssyncadd.s32 $0xFFFFC800  }
0xee: {  	s18 =	stileid.u32;
	[bflag:$0x0] =	sbarrier.arrive $0xFFFF  }
0xef: {  	s2 =	sshll.u32 s18, $0x6;
	s6 =	rddreg [dreg:$0x5]  }
0xf0: {  	s2 =	sor.u32 $0x1C06, s2;
	s24 =	rddreg [dreg:$0xf];
	s19 =	sshrl.u32 s6, $0x3  }
0xf1: {  	[hbm:s24], [sflag:s2] =	dma.local [spmem:s19], $0x2780  }
0xf2: {  	_ =	swait.ge [sflag:s21], $0x2780  }
0xf3: {  	s28 =	rddreg [dreg:$0x4]  }
0xf4: {  	s31 =	rddreg [dreg:$0x10];
	s5 =	sadd.s32 $0x1, s28  }
0xf5: {  	p0 =	sne.s32 s5, s31  }
.Ltmp2:
0xf6: {  	_ = 	snop;
	(pc) =	sbr.rel @p0 .LBB2_1-.Ltmp2, $3  }
0xf7: {  	_ =	sdelay $0x1  }
0xf8: {  	[sflag:s21] =	ssyncset.done $0x0  }
0xf9: {  	s7 =	simm.s32 $0x8000;
	[sflag:s21] =	ssyncadd.s32 $0xFFFFD880  }
0xfa: {  	_ =	sfence.sel $0x180000  }
0xfb: {  	[bflag:$0x0] =	sbarrier.arrive $0xFFFF  }
0xfc: {  	_ =	strace $0x90000047  }
0xfd: {  	s0 =	stileid.u32;
	[bflag:$0x2] =	sbarrier.arrive $0xFFFF  }
0xfe: {  	p0 =	sne.s32 s0, $0x0;
	s0 =	rddreg [dreg:$0x3]  }
0xff: {  	s0 =	sadd.s32 @!p0 $0x100000, s0  }
0x100: {  	[sflag:s0] =	ssyncadd.tile.s32 @!p0 $0x1;
	_ =	shalt  }
.Lfunc_end2:
_tile_overlayer_lowered:
.L_overlay_start_2:
0x101: {  	(tag) =	ssettag $0x2  }
0x102: {  	s0 =	rddreg [dreg:$0x0];
	s2 =	stileid.u32  }
0x103: {  	s1 =	rddreg [dreg:$0x1];
	p0 =	sne.s32 s2, $0x0  }
0x104: {  	s3 =	rddreg [dreg:$0x2];
	[bflag:$0x3] =	sbarrier.arrive $0xFFFF;
	s2 =	simm.s32 @!p0 $0x1C06  }
0x105: {  	[timem:s3], [sflag:s2] =	dma.local @!p0 [hbm:s0], s1  }
0x106: {  	s0 =	simm.s32 @!p0 $0x6  }
0x107: {  	_ =	swait.ge @!p0 [sflag:s0], s1  }
0x108: {  	s1 =	ssub.s32 @!p0 $0x0, s1;
	[sflag:s0] =	ssyncset.done @!p0 $0x0  }
0x109: {  	[sflag:s0] =	ssyncadd.s32 @!p0 s1  }
0x10a: {  	[bflag:$0x3] =	sbarrier.arrive $0xFFFF  }
0x10b: {  	_ =	shalt  }

</sc_bundles>
